<compile_context>
chip_gen: v7x
topology: tpu7x:2x2x1
jax: 0.10.2.dev20260603
libtpu: 0.0.44.dev20260713+nightly
codegen_flags: <defaults>
</compile_context>

<pallas_src>
import functools

import jax
import jax.numpy as jnp
from jax import lax
from jax.experimental import pallas as pl
from jax.experimental.pallas import tpu as pltpu
from jax.experimental.pallas import tpu_sc as plsc

_D = 1024
_DH = _D // 2
_FF = 512
_E = 8
_K = 2
_T = 2048
_N = _T * _K
_B = 256
_NP = _N + _E * _B
_NBP = _NP // _B
_NC = 2
_NS = 16
_NW = _NC * _NS


def _rne16(b):
    return (b + jnp.uint32(0x7FFF) + ((b >> 16) & jnp.uint32(1))) >> 16


def _pack_pairs(a):
    bits = pltpu.bitcast(a, jnp.uint32)
    lo = _rne16(bits[:, :_DH])
    hi = _rne16(bits[:, _DH:])
    return pltpu.bitcast(lo | (hi << 16), jnp.float32)


def _unpack_pairs(pk):
    bits = pltpu.bitcast(pk, jnp.uint32)
    lo = pltpu.bitcast(bits << 16, jnp.float32).astype(jnp.bfloat16)
    hi = pltpu.bitcast(bits & jnp.uint32(0xFFFF0000),
                       jnp.float32).astype(jnp.bfloat16)
    return lo, hi


_DN = (((1,), (1,)), ((), ()))


def _cumsum0(c, t):
    s = 1
    while s < t:
        c = c + jnp.concatenate(
            [jnp.zeros((s, c.shape[1]), c.dtype), c[:-s]], axis=0)
        s *= 2
    return c


def _router_body(x_ref, rw_ref, rb_ref, pp_ref, w_ref, cnt_ref, xpk_ref):
    x = x_ref[...]
    rw = rw_ref[...]
    t = x.shape[0]
    logits = lax.dot_general(x, rw, _DN, preferred_element_type=jnp.float32)
    scores = jax.nn.sigmoid(logits)
    sc = scores + rb_ref[...]
    idx8 = lax.broadcasted_iota(jnp.int32, (t, _E), 1)
    m1 = jnp.max(sc, axis=1, keepdims=True)
    i1 = jnp.min(jnp.where(sc >= m1, idx8, _E), axis=1, keepdims=True)
    w1 = jnp.sum(jnp.where(idx8 == i1, scores, 0.0), axis=1, keepdims=True)
    sc2 = jnp.where(idx8 == i1, -jnp.inf, sc)
    m2 = jnp.max(sc2, axis=1, keepdims=True)
    i2 = jnp.min(jnp.where(sc2 >= m2, idx8, _E), axis=1, keepdims=True)
    w2 = jnp.sum(jnp.where(idx8 == i2, scores, 0.0), axis=1, keepdims=True)
    denom = w1 + w2 + 1e-20
    w_ref[...] = jnp.concatenate([w1 / denom, w2 / denom], axis=1)

    oh1 = idx8 == i1
    oh2 = idx8 == i2
    cnt = oh1.astype(jnp.int32) + oh2.astype(jnp.int32)
    inc = _cumsum0(cnt, t)
    excl = inc - cnt
    counts = inc[t - 1:t, :]
    psize = ((counts + (_B - 1)) // _B) * _B
    poffx = jnp.zeros_like(psize)
    for e in range(1, _E):
        poffx = poffx + jnp.concatenate(
            [jnp.zeros((1, e), jnp.int32), psize[:, :_E - e]], axis=1)
    base = poffx + excl
    pp0 = jnp.sum(jnp.where(oh1, base, 0), axis=1, keepdims=True)
    pp1 = jnp.sum(jnp.where(oh2, base, 0), axis=1, keepdims=True)
    pp_ref[...] = jnp.concatenate([pp0, pp1], axis=1)
    cnt_ref[...] = counts
    xpk_ref[...] = _pack_pairs(x)


def _sc_gather_body(total_rows, cols, x_hbm, tok_hbm, xs_hbm,
                    idx0_v, idx1_v, idx2_v, idx3_v, buf0, buf1, sem0, sem1):
    wid = lax.axis_index("s") * _NC + lax.axis_index("c")
    rows_per_w = total_rows // _NW
    chunk = rows_per_w // 4
    base = wid * rows_per_w
    idx = (idx0_v, idx1_v, idx2_v, idx3_v)
    for j in range(4):
        pltpu.sync_copy(tok_hbm.at[pl.ds(base + j * chunk, chunk)], idx[j])
    cp0 = pltpu.async_copy(x_hbm.at[idx0_v], buf0, sem0)
    cp1 = pltpu.async_copy(x_hbm.at[idx1_v], buf1, sem1)
    cp0.wait()
    pltpu.sync_copy(buf0, xs_hbm.at[pl.ds(base, chunk)])
    cp2 = pltpu.async_copy(x_hbm.at[idx2_v], buf0, sem0)
    cp1.wait()
    pltpu.sync_copy(buf1, xs_hbm.at[pl.ds(base + chunk, chunk)])
    cp3 = pltpu.async_copy(x_hbm.at[idx3_v], buf1, sem1)
    cp2.wait()
    pltpu.sync_copy(buf0, xs_hbm.at[pl.ds(base + 2 * chunk, chunk)])
    cp3.wait()
    pltpu.sync_copy(buf1, xs_hbm.at[pl.ds(base + 3 * chunk, chunk)])


def _make_sc_gather(total_rows, cols):
    chunk = total_rows // _NW // 4
    return functools.partial(
        pl.kernel,
        mesh=plsc.VectorSubcoreMesh(core_axis_name="c", subcore_axis_name="s"),
        out_type=jax.ShapeDtypeStruct((total_rows, cols), jnp.float32),
        scratch_types=[
            pltpu.VMEM((chunk,), jnp.int32),
            pltpu.VMEM((chunk,), jnp.int32),
            pltpu.VMEM((chunk,), jnp.int32),
            pltpu.VMEM((chunk,), jnp.int32),
            pltpu.VMEM((chunk, cols), jnp.float32),
            pltpu.VMEM((chunk, cols), jnp.float32),
            pltpu.SemaphoreType.DMA,
            pltpu.SemaphoreType.DMA,
        ],
    )(functools.partial(_sc_gather_body, total_rows, cols))


def _gemm_body(be_ref, wsc_ref, xs_ref, wg_ref, wu_ref, wd_ref, ys_ref,
               wg_s, wu_s, wd_s):
    g = pl.program_id(0)
    prev = jnp.where(g == 0, -1, be_ref[jnp.maximum(g - 1, 0)])

    @pl.when(be_ref[g] != prev)
    def _():
        wg_s[...] = wg_ref[0].astype(jnp.bfloat16)
        wu_s[...] = wu_ref[0].astype(jnp.bfloat16)
        wd_s[...] = wd_ref[0].astype(jnp.bfloat16)

    xlo, xhi = _unpack_pairs(xs_ref[...])
    gg = (lax.dot_general(xlo, wg_s[:, :_DH], _DN,
                          preferred_element_type=jnp.float32)
          + lax.dot_general(xhi, wg_s[:, _DH:], _DN,
                            preferred_element_type=jnp.float32))
    uu = (lax.dot_general(xlo, wu_s[:, :_DH], _DN,
                          preferred_element_type=jnp.float32)
          + lax.dot_general(xhi, wu_s[:, _DH:], _DN,
                            preferred_element_type=jnp.float32))
    h = ((gg * jax.nn.sigmoid(gg)) * uu
         * wsc_ref[0, 0, :][:, None]).astype(jnp.bfloat16)
    y = lax.dot_general(h, wd_s[...], _DN,
                        preferred_element_type=jnp.float32)
    ys_ref[...] = _pack_pairs(y)


def _shared_body(x_ref, sg_ref, su_ref, sd_ref, ya_ref, yb_ref, out_ref,
                 sg_s, su_s, sd_s):
    @pl.when(pl.program_id(0) == 0)
    def _():
        sg_s[...] = sg_ref[...].astype(jnp.bfloat16)
        su_s[...] = su_ref[...].astype(jnp.bfloat16)
        sd_s[...] = sd_ref[...].astype(jnp.bfloat16)

    xlo, xhi = _unpack_pairs(x_ref[...])
    g = (lax.dot_general(xlo, sg_s[:, :_DH], _DN,
                         preferred_element_type=jnp.float32)
         + lax.dot_general(xhi, sg_s[:, _DH:], _DN,
                           preferred_element_type=jnp.float32))
    u = (lax.dot_general(xlo, su_s[:, :_DH], _DN,
                         preferred_element_type=jnp.float32)
         + lax.dot_general(xhi, su_s[:, _DH:], _DN,
                           preferred_element_type=jnp.float32))
    h = ((g * jax.nn.sigmoid(g)) * u).astype(jnp.bfloat16)
    shared = lax.dot_general(h, sd_s[...], _DN,
                             preferred_element_type=jnp.float32)
    alo, ahi = _unpack_pairs(ya_ref[...])
    blo, bhi = _unpack_pairs(yb_ref[...])
    out_ref[:, :_DH] = (shared[:, :_DH] + alo.astype(jnp.float32)
                        + blo.astype(jnp.float32))
    out_ref[:, _DH:] = (shared[:, _DH:] + ahi.astype(jnp.float32)
                        + bhi.astype(jnp.float32))


def kernel(hidden_states, router_w, router_bias, Wg, Wu, Wd, Sg, Su, Sd):
    orig_shape = hidden_states.shape
    x = hidden_states.reshape(-1, _D)

    pp, topk_w, cnt, xpk = pl.pallas_call(
        _router_body,
        out_shape=(jax.ShapeDtypeStruct((_T, _K), jnp.int32),
                   jax.ShapeDtypeStruct((_T, _K), jnp.float32),
                   jax.ShapeDtypeStruct((1, _E), jnp.int32),
                   jax.ShapeDtypeStruct((_T, _DH), jnp.float32)),
    )(x, router_w, router_bias.reshape(1, _E))

    counts = cnt.reshape(_E)
    psize = ((counts + (_B - 1)) // _B) * _B
    poff = jnp.concatenate(
        [jnp.zeros(1, jnp.int32), jnp.cumsum(psize).astype(jnp.int32)])
    pp_flat = pp.reshape(-1)
    init = jnp.stack([jnp.arange(_NP, dtype=jnp.int32) % _T,
                      jnp.zeros(_NP, jnp.int32)])
    upd = jnp.stack([jnp.arange(_N, dtype=jnp.int32) // _K,
                     lax.bitcast_convert_type(topk_w.reshape(-1), jnp.int32)])
    merged = init.at[:, pp_flat].set(upd)
    tok_pad = merged[0]
    w_pad = lax.bitcast_convert_type(merged[1], jnp.float32)
    block_expert = jnp.clip(
        jnp.searchsorted(poff, jnp.arange(_NBP, dtype=jnp.int32) * _B,
                         side='right').astype(jnp.int32) - 1,
        0, _E - 1)
    inv_cat = jnp.concatenate([pp[:, 0], pp[:, 1]])

    xs = _make_sc_gather(_NP, _DH)(xpk, tok_pad)

    ys = pl.pallas_call(
        _gemm_body,
        grid_spec=pltpu.PrefetchScalarGridSpec(
            num_scalar_prefetch=1,
            grid=(_NBP,),
            in_specs=[
                pl.BlockSpec((1, 1, _B), lambda g, be: (g, 0, 0)),
                pl.BlockSpec((_B, _DH), lambda g, be: (g, 0)),
                pl.BlockSpec((1, _FF, _D), lambda g, be: (be[g], 0, 0)),
                pl.BlockSpec((1, _FF, _D), lambda g, be: (be[g], 0, 0)),
                pl.BlockSpec((1, _D, _FF), lambda g, be: (be[g], 0, 0)),
            ],
            out_specs=pl.BlockSpec((_B, _DH), lambda g, be: (g, 0)),
            scratch_shapes=[
                pltpu.VMEM((_FF, _D), jnp.bfloat16),
                pltpu.VMEM((_FF, _D), jnp.bfloat16),
                pltpu.VMEM((_D, _FF), jnp.bfloat16),
            ],
        ),
        out_shape=jax.ShapeDtypeStruct((_NP, _DH), jnp.float32),
        compiler_params=pltpu.CompilerParams(
            dimension_semantics=("arbitrary",),
        ),
    )(block_expert, w_pad.reshape(_NBP, 1, _B), xs, Wg, Wu, Wd)

    ysab = _make_sc_gather(2 * _T, _DH)(ys, inv_cat)

    tb = _T // 4
    out = pl.pallas_call(
        _shared_body,
        grid=(4,),
        in_specs=[
            pl.BlockSpec((tb, _DH), lambda t: (t, 0)),
            pl.BlockSpec((_FF, _D), lambda t: (0, 0)),
            pl.BlockSpec((_FF, _D), lambda t: (0, 0)),
            pl.BlockSpec((_D, _FF), lambda t: (0, 0)),
            pl.BlockSpec((tb, _DH), lambda t: (t, 0)),
            pl.BlockSpec((tb, _DH), lambda t: (t + _T // tb, 0)),
        ],
        out_specs=pl.BlockSpec((tb, _D), lambda t: (t, 0)),
        out_shape=jax.ShapeDtypeStruct((_T, _D), jnp.float32),
        scratch_shapes=[
            pltpu.VMEM((_FF, _D), jnp.bfloat16),
            pltpu.VMEM((_FF, _D), jnp.bfloat16),
            pltpu.VMEM((_D, _FF), jnp.bfloat16),
        ],
    )(xpk, Sg, Su, Sd, ysab, ysab)

    return out.reshape(orig_shape)

# --- scband reference (transcript-rebuilt; emitter-appended) ---
"""Pipeline reference for scband-glm4-moe-mo-eexpert-parallel-9981503995985 (READ-ONLY COPY).

The authoritative reference and input builder live on the scoring server;
editing this copy changes nothing except your own understanding.
"""

import jax, jax.numpy as jnp
import numpy as np

D_MODEL = 1024
FF = 512          # moe_intermediate_size
E = 8             # n_routed_experts
TOP_K = 2
N_SHARED = 1
FF_SHARED = FF * N_SHARED
ROUTED_SCALING = 1.0


def setup_inputs(seed: int = 0) -> dict:
    key = jax.random.key(seed)
    ks = jax.random.split(key, 10)
    s = 0.02
    return {
        "hidden_states": jax.random.normal(ks[0], (1, 2048, D_MODEL), dtype=jnp.float32),
        # router (Glm4MoeTopkRouter) params
        "router_w": jax.random.normal(ks[1], (E, D_MODEL), dtype=jnp.float32) * s,
        "router_bias": jnp.zeros((E,), dtype=jnp.float32),  # e_score_correction_bias
        # routed experts (Glm4MoeMLP, gated SiLU), stacked over experts
        "Wg": jax.random.normal(ks[2], (E, FF, D_MODEL), dtype=jnp.float32) * s,
        "Wu": jax.random.normal(ks[3], (E, FF, D_MODEL), dtype=jnp.float32) * s,
        "Wd": jax.random.normal(ks[4], (E, D_MODEL, FF), dtype=jnp.float32) * s,
        # shared expert MLP (intermediate = moe_intermediate_size * n_shared_experts)
        "Sg": jax.random.normal(ks[5], (FF_SHARED, D_MODEL), dtype=jnp.float32) * s,
        "Su": jax.random.normal(ks[6], (FF_SHARED, D_MODEL), dtype=jnp.float32) * s,
        "Sd": jax.random.normal(ks[7], (D_MODEL, FF_SHARED), dtype=jnp.float32) * s,
    }


def _router(x, router_w, router_bias):
    # Glm4MoeTopkRouter with n_group=1, topk_group=1 (group mask selects all experts)
    logits = x @ router_w.T
    scores = jax.nn.sigmoid(logits)
    scores_for_choice = scores + router_bias[None, :]
    _, topk_idx = jax.lax.top_k(scores_for_choice, TOP_K)
    topk_w = jnp.take_along_axis(scores, topk_idx, axis=1)
    # norm_topk_prob = True
    denom = jnp.sum(topk_w, axis=-1, keepdims=True) + 1e-20
    topk_w = topk_w / denom
    topk_w = topk_w * ROUTED_SCALING
    return topk_idx, topk_w


def reference(hidden_states, router_w, router_bias, Wg, Wu, Wd, Sg, Su, Sd):
    orig_shape = hidden_states.shape
    residuals = hidden_states
    x = hidden_states.reshape(-1, orig_shape[-1])  # [T, D]

    topk_idx, topk_w = _router(x, router_w, router_bias)

    # combine weights per (token, expert): equivalent to the one_hot/index_add
    # dispatch-combine in _moe_local (expert MLP is token-wise, so dense masked
    # compute yields identical math)
    cw = jnp.sum(jax.nn.one_hot(topk_idx, E, dtype=x.dtype) * topk_w[..., None], axis=1)  # [T, E]

    g = jnp.einsum('td,efd->etf', x, Wg)
    u = jnp.einsum('td,efd->etf', x, Wu)
    h = jax.nn.silu(g) * u
    out_e = jnp.einsum('etf,edf->etd', h, Wd)          # per-expert outputs [E, T, D]
    routed = jnp.einsum('etd,te->td', out_e, cw)       # weighted combine

    shared = (jax.nn.silu(x @ Sg.T) * (x @ Su.T)) @ Sd.T

    out = routed.reshape(orig_shape) + shared.reshape(orig_shape)
    return out

if __name__ == "__main__":
    import jax
    _d = setup_inputs()
    print(jax.jit(kernel)(*tuple(_d.values())))

</pallas_src>

<mosaic_0001>
#map = affine_map<(d0, d1) -> (0, 0)>
#map1 = affine_map<(d0, d1) -> (0)>
module attributes {stable_mosaic.version = 14 : i64} {
  func.func @_sc_gather_body(%arg0: i32, %arg1: i32, %arg2: memref<6144x512xf32, #tpu.memory_space<hbm>>, %arg3: memref<4096xi32, #tpu.memory_space<hbm>>, %arg4: memref<4096x512xf32, #tpu.memory_space<hbm>>, %arg5: memref<32xi32, #tpu.memory_space<vmem>>, %arg6: memref<32xi32, #tpu.memory_space<vmem>>, %arg7: memref<32xi32, #tpu.memory_space<vmem>>, %arg8: memref<32xi32, #tpu.memory_space<vmem>>, %arg9: memref<32x512xf32, #tpu.memory_space<vmem>>, %arg10: memref<32x512xf32, #tpu.memory_space<vmem>>, %arg11: memref<!tpu.dma_semaphore, #tpu.memory_space<semaphore_mem>>, %arg12: memref<!tpu.dma_semaphore, #tpu.memory_space<semaphore_mem>>) attributes {dimension_semantics = [#tpu.dimension_semantics<core_parallel>, #tpu.dimension_semantics<subcore_parallel>], iteration_bounds = array<i64: 2, 16>, scalar_prefetch = 0 : i64, scratch_operands = 8 : i64, tpu.core_type = #tpu.core_type<sc_vector_subcore>, window_params = [{transform_indices = #map}, {transform_indices = #map1}, {transform_indices = #map}]} {
    %mul3A = arith.constant 2 : i32
    %mul3A_0 = arith.muli %arg1, %mul3A : i32
    %add3A = arith.addi %mul3A_0, %arg0 : i32
    %mul3A_1 = arith.constant 128 : i32
    %mul3A_2 = arith.muli %add3A, %mul3A_1 : i32
    %add3A_3 = arith.constant 0 : i32
    %add3A_4 = arith.addi %mul3A_2, %add3A_3 : i32
    "tpu.region"() ({
      %run_scoped3A = tpu.sem_alloc : memref<!tpu.dma_semaphore, #tpu.memory_space<semaphore_mem>>
      %dma_start3A_39 = tpu.memref_slice %arg3[%add3A_4] : memref<4096xi32, #tpu.memory_space<hbm>> -> memref<32xi32, #tpu.memory_space<hbm>>
      %dma_start3A_40 = tpu.memref_slice %arg3[%add3A_4] : memref<4096xi32, #tpu.memory_space<hbm>> -> memref<32xi32, #tpu.memory_space<hbm>>
      tpu.enqueue_dma source(%dma_start3A_40 : memref<32xi32, #tpu.memory_space<hbm>>) target(%arg5 : memref<32xi32, #tpu.memory_space<vmem>>) target_semaphore(%run_scoped3A : memref<!tpu.dma_semaphore, #tpu.memory_space<semaphore_mem>>)
      %dma_wait3A_41 = tpu.memref_slice %arg3[%add3A_4] : memref<4096xi32, #tpu.memory_space<hbm>> -> memref<32xi32, #tpu.memory_space<hbm>>
      %dma_wait3A_42 = tpu.memref_slice %arg3[%add3A_4] : memref<4096xi32, #tpu.memory_space<hbm>> -> memref<32xi32, #tpu.memory_space<hbm>>
      tpu.wait_dma2 semaphore(%run_scoped3A : memref<!tpu.dma_semaphore, #tpu.memory_space<semaphore_mem>>) src(%dma_wait3A_42 : memref<32xi32, #tpu.memory_space<hbm>>) dst(%arg5 : memref<32xi32, #tpu.memory_space<vmem>>)
      tpu.yield
    }) : () -> ()
    %add3A_5 = arith.constant 32 : i32
    %add3A_6 = arith.addi %mul3A_2, %add3A_5 : i32
    "tpu.region"() ({
      %run_scoped3A = tpu.sem_alloc : memref<!tpu.dma_semaphore, #tpu.memory_space<semaphore_mem>>
      %dma_start3A_39 = tpu.memref_slice %arg3[%add3A_6] : memref<4096xi32, #tpu.memory_space<hbm>> -> memref<32xi32, #tpu.memory_space<hbm>>
      %dma_start3A_40 = tpu.memref_slice %arg3[%add3A_6] : memref<4096xi32, #tpu.memory_space<hbm>> -> memref<32xi32, #tpu.memory_space<hbm>>
      tpu.enqueue_dma source(%dma_start3A_40 : memref<32xi32, #tpu.memory_space<hbm>>) target(%arg6 : memref<32xi32, #tpu.memory_space<vmem>>) target_semaphore(%run_scoped3A : memref<!tpu.dma_semaphore, #tpu.memory_space<semaphore_mem>>)
      %dma_wait3A_41 = tpu.memref_slice %arg3[%add3A_6] : memref<4096xi32, #tpu.memory_space<hbm>> -> memref<32xi32, #tpu.memory_space<hbm>>
      %dma_wait3A_42 = tpu.memref_slice %arg3[%add3A_6] : memref<4096xi32, #tpu.memory_space<hbm>> -> memref<32xi32, #tpu.memory_space<hbm>>
      tpu.wait_dma2 semaphore(%run_scoped3A : memref<!tpu.dma_semaphore, #tpu.memory_space<semaphore_mem>>) src(%dma_wait3A_42 : memref<32xi32, #tpu.memory_space<hbm>>) dst(%arg6 : memref<32xi32, #tpu.memory_space<vmem>>)
      tpu.yield
    }) : () -> ()
    %add3A_7 = arith.constant 64 : i32
    %add3A_8 = arith.addi %mul3A_2, %add3A_7 : i32
    "tpu.region"() ({
      %run_scoped3A = tpu.sem_alloc : memref<!tpu.dma_semaphore, #tpu.memory_space<semaphore_mem>>
      %dma_start3A_39 = tpu.memref_slice %arg3[%add3A_8] : memref<4096xi32, #tpu.memory_space<hbm>> -> memref<32xi32, #tpu.memory_space<hbm>>
      %dma_start3A_40 = tpu.memref_slice %arg3[%add3A_8] : memref<4096xi32, #tpu.memory_space<hbm>> -> memref<32xi32, #tpu.memory_space<hbm>>
      tpu.enqueue_dma source(%dma_start3A_40 : memref<32xi32, #tpu.memory_space<hbm>>) target(%arg7 : memref<32xi32, #tpu.memory_space<vmem>>) target_semaphore(%run_scoped3A : memref<!tpu.dma_semaphore, #tpu.memory_space<semaphore_mem>>)
      %dma_wait3A_41 = tpu.memref_slice %arg3[%add3A_8] : memref<4096xi32, #tpu.memory_space<hbm>> -> memref<32xi32, #tpu.memory_space<hbm>>
      %dma_wait3A_42 = tpu.memref_slice %arg3[%add3A_8] : memref<4096xi32, #tpu.memory_space<hbm>> -> memref<32xi32, #tpu.memory_space<hbm>>
      tpu.wait_dma2 semaphore(%run_scoped3A : memref<!tpu.dma_semaphore, #tpu.memory_space<semaphore_mem>>) src(%dma_wait3A_42 : memref<32xi32, #tpu.memory_space<hbm>>) dst(%arg7 : memref<32xi32, #tpu.memory_space<vmem>>)
      tpu.yield
    }) : () -> ()
    %add3A_9 = arith.constant 96 : i32
    %add3A_10 = arith.addi %mul3A_2, %add3A_9 : i32
    "tpu.region"() ({
      %run_scoped3A = tpu.sem_alloc : memref<!tpu.dma_semaphore, #tpu.memory_space<semaphore_mem>>
      %dma_start3A_39 = tpu.memref_slice %arg3[%add3A_10] : memref<4096xi32, #tpu.memory_space<hbm>> -> memref<32xi32, #tpu.memory_space<hbm>>
      %dma_start3A_40 = tpu.memref_slice %arg3[%add3A_10] : memref<4096xi32, #tpu.memory_space<hbm>> -> memref<32xi32, #tpu.memory_space<hbm>>
      tpu.enqueue_dma source(%dma_start3A_40 : memref<32xi32, #tpu.memory_space<hbm>>) target(%arg8 : memref<32xi32, #tpu.memory_space<vmem>>) target_semaphore(%run_scoped3A : memref<!tpu.dma_semaphore, #tpu.memory_space<semaphore_mem>>)
      %dma_wait3A_41 = tpu.memref_slice %arg3[%add3A_10] : memref<4096xi32, #tpu.memory_space<hbm>> -> memref<32xi32, #tpu.memory_space<hbm>>
      %dma_wait3A_42 = tpu.memref_slice %arg3[%add3A_10] : memref<4096xi32, #tpu.memory_space<hbm>> -> memref<32xi32, #tpu.memory_space<hbm>>
      tpu.wait_dma2 semaphore(%run_scoped3A : memref<!tpu.dma_semaphore, #tpu.memory_space<semaphore_mem>>) src(%dma_wait3A_42 : memref<32xi32, #tpu.memory_space<hbm>>) dst(%arg8 : memref<32xi32, #tpu.memory_space<vmem>>)
      tpu.yield
    }) : () -> ()
    %dma_start3A = arith.constant 0 : i32
    %dma_start3A_11 = arith.constant 0 : i32
    %dma_start3A_12 = tpu.memref_slice %arg2[%dma_start3A, %dma_start3A_11] : memref<6144x512xf32, #tpu.memory_space<hbm>> -> memref<6144x512xf32, #tpu.memory_space<hbm>>
    tpu.enqueue_indirect_dma source(%dma_start3A_12 : memref<6144x512xf32, #tpu.memory_space<hbm>>) target(%arg9 : memref<32x512xf32, #tpu.memory_space<vmem>>) offsets(%arg5 : memref<32xi32, #tpu.memory_space<vmem>>) semaphore(%arg11 : memref<!tpu.dma_semaphore, #tpu.memory_space<semaphore_mem>>)
    %dma_start3A_13 = arith.constant 0 : i32
    %dma_start3A_14 = arith.constant 0 : i32
    %dma_start3A_15 = tpu.memref_slice %arg2[%dma_start3A_13, %dma_start3A_14] : memref<6144x512xf32, #tpu.memory_space<hbm>> -> memref<6144x512xf32, #tpu.memory_space<hbm>>
    tpu.enqueue_indirect_dma source(%dma_start3A_15 : memref<6144x512xf32, #tpu.memory_space<hbm>>) target(%arg10 : memref<32x512xf32, #tpu.memory_space<vmem>>) offsets(%arg6 : memref<32xi32, #tpu.memory_space<vmem>>) semaphore(%arg12 : memref<!tpu.dma_semaphore, #tpu.memory_space<semaphore_mem>>)
    %dma_wait3A = arith.constant 0 : i32
    %dma_wait3A_16 = arith.constant 0 : i32
    %dma_wait3A_17 = tpu.memref_slice %arg2[%dma_wait3A, %dma_wait3A_16] : memref<6144x512xf32, #tpu.memory_space<hbm>> -> memref<6144x512xf32, #tpu.memory_space<hbm>>
    tpu.wait_indirect_dma semaphore(%arg11 : memref<!tpu.dma_semaphore, #tpu.memory_space<semaphore_mem>>) src(%dma_wait3A_17 : memref<6144x512xf32, #tpu.memory_space<hbm>>) dst(%arg9 : memref<32x512xf32, #tpu.memory_space<vmem>>)
    "tpu.region"() ({
      %run_scoped3A = tpu.sem_alloc : memref<!tpu.dma_semaphore, #tpu.memory_space<semaphore_mem>>
      %dma_start3A_39 = arith.constant 0 : i32
      %dma_start3A_40 = tpu.memref_slice %arg4[%mul3A_2, %dma_start3A_39] : memref<4096x512xf32, #tpu.memory_space<hbm>> -> memref<32x512xf32, #tpu.memory_space<hbm>>
      %dma_start3A_41 = arith.constant 0 : i32
      %dma_start3A_42 = tpu.memref_slice %arg4[%mul3A_2, %dma_start3A_41] : memref<4096x512xf32, #tpu.memory_space<hbm>> -> memref<32x512xf32, #tpu.memory_space<hbm>>
      tpu.enqueue_dma source(%arg9 : memref<32x512xf32, #tpu.memory_space<vmem>>) target(%dma_start3A_42 : memref<32x512xf32, #tpu.memory_space<hbm>>) target_semaphore(%run_scoped3A : memref<!tpu.dma_semaphore, #tpu.memory_space<semaphore_mem>>)
      %dma_wait3A_43 = arith.constant 0 : i32
      %dma_wait3A_44 = tpu.memref_slice %arg4[%mul3A_2, %dma_wait3A_43] : memref<4096x512xf32, #tpu.memory_space<hbm>> -> memref<32x512xf32, #tpu.memory_space<hbm>>
      %dma_wait3A_45 = arith.constant 0 : i32
      %dma_wait3A_46 = tpu.memref_slice %arg4[%mul3A_2, %dma_wait3A_45] : memref<4096x512xf32, #tpu.memory_space<hbm>> -> memref<32x512xf32, #tpu.memory_space<hbm>>
      tpu.wait_dma2 semaphore(%run_scoped3A : memref<!tpu.dma_semaphore, #tpu.memory_space<semaphore_mem>>) src(%arg9 : memref<32x512xf32, #tpu.memory_space<vmem>>) dst(%dma_wait3A_46 : memref<32x512xf32, #tpu.memory_space<hbm>>)
      tpu.yield
    }) : () -> ()
    %dma_start3A_18 = arith.constant 0 : i32
    %dma_start3A_19 = arith.constant 0 : i32
    %dma_start3A_20 = tpu.memref_slice %arg2[%dma_start3A_18, %dma_start3A_19] : memref<6144x512xf32, #tpu.memory_space<hbm>> -> memref<6144x512xf32, #tpu.memory_space<hbm>>
    tpu.enqueue_indirect_dma source(%dma_start3A_20 : memref<6144x512xf32, #tpu.memory_space<hbm>>) target(%arg9 : memref<32x512xf32, #tpu.memory_space<vmem>>) offsets(%arg7 : memref<32xi32, #tpu.memory_space<vmem>>) semaphore(%arg11 : memref<!tpu.dma_semaphore, #tpu.memory_space<semaphore_mem>>)
    %dma_wait3A_21 = arith.constant 0 : i32
    %dma_wait3A_22 = arith.constant 0 : i32
    %dma_wait3A_23 = tpu.memref_slice %arg2[%dma_wait3A_21, %dma_wait3A_22] : memref<6144x512xf32, #tpu.memory_space<hbm>> -> memref<6144x512xf32, #tpu.memory_space<hbm>>
    tpu.wait_indirect_dma semaphore(%arg12 : memref<!tpu.dma_semaphore, #tpu.memory_space<semaphore_mem>>) src(%dma_wait3A_23 : memref<6144x512xf32, #tpu.memory_space<hbm>>) dst(%arg10 : memref<32x512xf32, #tpu.memory_space<vmem>>)
    %add3A_24 = arith.constant 32 : i32
    %add3A_25 = arith.addi %mul3A_2, %add3A_24 : i32
    "tpu.region"() ({
      %run_scoped3A = tpu.sem_alloc : memref<!tpu.dma_semaphore, #tpu.memory_space<semaphore_mem>>
      %dma_start3A_39 = arith.constant 0 : i32
      %dma_start3A_40 = tpu.memref_slice %arg4[%add3A_25, %dma_start3A_39] : memref<4096x512xf32, #tpu.memory_space<hbm>> -> memref<32x512xf32, #tpu.memory_space<hbm>>
      %dma_start3A_41 = arith.constant 0 : i32
      %dma_start3A_42 = tpu.memref_slice %arg4[%add3A_25, %dma_start3A_41] : memref<4096x512xf32, #tpu.memory_space<hbm>> -> memref<32x512xf32, #tpu.memory_space<hbm>>
      tpu.enqueue_dma source(%arg10 : memref<32x512xf32, #tpu.memory_space<vmem>>) target(%dma_start3A_42 : memref<32x512xf32, #tpu.memory_space<hbm>>) target_semaphore(%run_scoped3A : memref<!tpu.dma_semaphore, #tpu.memory_space<semaphore_mem>>)
      %dma_wait3A_43 = arith.constant 0 : i32
      %dma_wait3A_44 = tpu.memref_slice %arg4[%add3A_25, %dma_wait3A_43] : memref<4096x512xf32, #tpu.memory_space<hbm>> -> memref<32x512xf32, #tpu.memory_space<hbm>>
      %dma_wait3A_45 = arith.constant 0 : i32
      %dma_wait3A_46 = tpu.memref_slice %arg4[%add3A_25, %dma_wait3A_45] : memref<4096x512xf32, #tpu.memory_space<hbm>> -> memref<32x512xf32, #tpu.memory_space<hbm>>
      tpu.wait_dma2 semaphore(%run_scoped3A : memref<!tpu.dma_semaphore, #tpu.memory_space<semaphore_mem>>) src(%arg10 : memref<32x512xf32, #tpu.memory_space<vmem>>) dst(%dma_wait3A_46 : memref<32x512xf32, #tpu.memory_space<hbm>>)
      tpu.yield
    }) : () -> ()
    %dma_start3A_26 = arith.constant 0 : i32
    %dma_start3A_27 = arith.constant 0 : i32
    %dma_start3A_28 = tpu.memref_slice %arg2[%dma_start3A_26, %dma_start3A_27] : memref<6144x512xf32, #tpu.memory_space<hbm>> -> memref<6144x512xf32, #tpu.memory_space<hbm>>
    tpu.enqueue_indirect_dma source(%dma_start3A_28 : memref<6144x512xf32, #tpu.memory_space<hbm>>) target(%arg10 : memref<32x512xf32, #tpu.memory_space<vmem>>) offsets(%arg8 : memref<32xi32, #tpu.memory_space<vmem>>) semaphore(%arg12 : memref<!tpu.dma_semaphore, #tpu.memory_space<semaphore_mem>>)
    %dma_wait3A_29 = arith.constant 0 : i32
    %dma_wait3A_30 = arith.constant 0 : i32
    %dma_wait3A_31 = tpu.memref_slice %arg2[%dma_wait3A_29, %dma_wait3A_30] : memref<6144x512xf32, #tpu.memory_space<hbm>> -> memref<6144x512xf32, #tpu.memory_space<hbm>>
    tpu.wait_indirect_dma semaphore(%arg11 : memref<!tpu.dma_semaphore, #tpu.memory_space<semaphore_mem>>) src(%dma_wait3A_31 : memref<6144x512xf32, #tpu.memory_space<hbm>>) dst(%arg9 : memref<32x512xf32, #tpu.memory_space<vmem>>)
    %add3A_32 = arith.constant 64 : i32
    %add3A_33 = arith.addi %mul3A_2, %add3A_32 : i32
    "tpu.region"() ({
      %run_scoped3A = tpu.sem_alloc : memref<!tpu.dma_semaphore, #tpu.memory_space<semaphore_mem>>
      %dma_start3A_39 = arith.constant 0 : i32
      %dma_start3A_40 = tpu.memref_slice %arg4[%add3A_33, %dma_start3A_39] : memref<4096x512xf32, #tpu.memory_space<hbm>> -> memref<32x512xf32, #tpu.memory_space<hbm>>
      %dma_start3A_41 = arith.constant 0 : i32
      %dma_start3A_42 = tpu.memref_slice %arg4[%add3A_33, %dma_start3A_41] : memref<4096x512xf32, #tpu.memory_space<hbm>> -> memref<32x512xf32, #tpu.memory_space<hbm>>
      tpu.enqueue_dma source(%arg9 : memref<32x512xf32, #tpu.memory_space<vmem>>) target(%dma_start3A_42 : memref<32x512xf32, #tpu.memory_space<hbm>>) target_semaphore(%run_scoped3A : memref<!tpu.dma_semaphore, #tpu.memory_space<semaphore_mem>>)
      %dma_wait3A_43 = arith.constant 0 : i32
      %dma_wait3A_44 = tpu.memref_slice %arg4[%add3A_33, %dma_wait3A_43] : memref<4096x512xf32, #tpu.memory_space<hbm>> -> memref<32x512xf32, #tpu.memory_space<hbm>>
      %dma_wait3A_45 = arith.constant 0 : i32
      %dma_wait3A_46 = tpu.memref_slice %arg4[%add3A_33, %dma_wait3A_45] : memref<4096x512xf32, #tpu.memory_space<hbm>> -> memref<32x512xf32, #tpu.memory_space<hbm>>
      tpu.wait_dma2 semaphore(%run_scoped3A : memref<!tpu.dma_semaphore, #tpu.memory_space<semaphore_mem>>) src(%arg9 : memref<32x512xf32, #tpu.memory_space<vmem>>) dst(%dma_wait3A_46 : memref<32x512xf32, #tpu.memory_space<hbm>>)
      tpu.yield
    }) : () -> ()
    %dma_wait3A_34 = arith.constant 0 : i32
    %dma_wait3A_35 = arith.constant 0 : i32
    %dma_wait3A_36 = tpu.memref_slice %arg2[%dma_wait3A_34, %dma_wait3A_35] : memref<6144x512xf32, #tpu.memory_space<hbm>> -> memref<6144x512xf32, #tpu.memory_space<hbm>>
    tpu.wait_indirect_dma semaphore(%arg12 : memref<!tpu.dma_semaphore, #tpu.memory_space<semaphore_mem>>) src(%dma_wait3A_36 : memref<6144x512xf32, #tpu.memory_space<hbm>>) dst(%arg10 : memref<32x512xf32, #tpu.memory_space<vmem>>)
    %add3A_37 = arith.constant 96 : i32
    %add3A_38 = arith.addi %mul3A_2, %add3A_37 : i32
    "tpu.region"() ({
      %run_scoped3A = tpu.sem_alloc : memref<!tpu.dma_semaphore, #tpu.memory_space<semaphore_mem>>
      %dma_start3A_39 = arith.constant 0 : i32
      %dma_start3A_40 = tpu.memref_slice %arg4[%add3A_38, %dma_start3A_39] : memref<4096x512xf32, #tpu.memory_space<hbm>> -> memref<32x512xf32, #tpu.memory_space<hbm>>
      %dma_start3A_41 = arith.constant 0 : i32
      %dma_start3A_42 = tpu.memref_slice %arg4[%add3A_38, %dma_start3A_41] : memref<4096x512xf32, #tpu.memory_space<hbm>> -> memref<32x512xf32, #tpu.memory_space<hbm>>
      tpu.enqueue_dma source(%arg10 : memref<32x512xf32, #tpu.memory_space<vmem>>) target(%dma_start3A_42 : memref<32x512xf32, #tpu.memory_space<hbm>>) target_semaphore(%run_scoped3A : memref<!tpu.dma_semaphore, #tpu.memory_space<semaphore_mem>>)
      %dma_wait3A_43 = arith.constant 0 : i32
      %dma_wait3A_44 = tpu.memref_slice %arg4[%add3A_38, %dma_wait3A_43] : memref<4096x512xf32, #tpu.memory_space<hbm>> -> memref<32x512xf32, #tpu.memory_space<hbm>>
      %dma_wait3A_45 = arith.constant 0 : i32
      %dma_wait3A_46 = tpu.memref_slice %arg4[%add3A_38, %dma_wait3A_45] : memref<4096x512xf32, #tpu.memory_space<hbm>> -> memref<32x512xf32, #tpu.memory_space<hbm>>
      tpu.wait_dma2 semaphore(%run_scoped3A : memref<!tpu.dma_semaphore, #tpu.memory_space<semaphore_mem>>) src(%arg10 : memref<32x512xf32, #tpu.memory_space<vmem>>) dst(%dma_wait3A_46 : memref<32x512xf32, #tpu.memory_space<hbm>>)
      tpu.yield
    }) : () -> ()
    return
  }
}

#map = affine_map<(d0, d1) -> (0, 0)>
#map1 = affine_map<(d0, d1) -> (0)>
module attributes {stable_mosaic.version = 14 : i64} {
  func.func @_sc_gather_body(%arg0: i32, %arg1: i32, %arg2: memref<2048x512xf32, #tpu.memory_space<hbm>>, %arg3: memref<6144xi32, #tpu.memory_space<hbm>>, %arg4: memref<6144x512xf32, #tpu.memory_space<hbm>>, %arg5: memref<48xi32, #tpu.memory_space<vmem>>, %arg6: memref<48xi32, #tpu.memory_space<vmem>>, %arg7: memref<48xi32, #tpu.memory_space<vmem>>, %arg8: memref<48xi32, #tpu.memory_space<vmem>>, %arg9: memref<48x512xf32, #tpu.memory_space<vmem>>, %arg10: memref<48x512xf32, #tpu.memory_space<vmem>>, %arg11: memref<!tpu.dma_semaphore, #tpu.memory_space<semaphore_mem>>, %arg12: memref<!tpu.dma_semaphore, #tpu.memory_space<semaphore_mem>>) attributes {dimension_semantics = [#tpu.dimension_semantics<core_parallel>, #tpu.dimension_semantics<subcore_parallel>], iteration_bounds = array<i64: 2, 16>, scalar_prefetch = 0 : i64, scratch_operands = 8 : i64, tpu.core_type = #tpu.core_type<sc_vector_subcore>, window_params = [{transform_indices = #map}, {transform_indices = #map1}, {transform_indices = #map}]} {
    %mul3A = arith.constant 2 : i32
    %mul3A_0 = arith.muli %arg1, %mul3A : i32
    %add3A = arith.addi %mul3A_0, %arg0 : i32
    %mul3A_1 = arith.constant 192 : i32
    %mul3A_2 = arith.muli %add3A, %mul3A_1 : i32
    %add3A_3 = arith.constant 0 : i32
    %add3A_4 = arith.addi %mul3A_2, %add3A_3 : i32
    "tpu.region"() ({
      %run_scoped3A = tpu.sem_alloc : memref<!tpu.dma_semaphore, #tpu.memory_space<semaphore_mem>>
      %dma_start3A_39 = tpu.memref_slice %arg3[%add3A_4] : memref<6144xi32, #tpu.memory_space<hbm>> -> memref<48xi32, #tpu.memory_space<hbm>>
      %dma_start3A_40 = tpu.memref_slice %arg3[%add3A_4] : memref<6144xi32, #tpu.memory_space<hbm>> -> memref<48xi32, #tpu.memory_space<hbm>>
      tpu.enqueue_dma source(%dma_start3A_40 : memref<48xi32, #tpu.memory_space<hbm>>) target(%arg5 : memref<48xi32, #tpu.memory_space<vmem>>) target_semaphore(%run_scoped3A : memref<!tpu.dma_semaphore, #tpu.memory_space<semaphore_mem>>)
      %dma_wait3A_41 = tpu.memref_slice %arg3[%add3A_4] : memref<6144xi32, #tpu.memory_space<hbm>> -> memref<48xi32, #tpu.memory_space<hbm>>
      %dma_wait3A_42 = tpu.memref_slice %arg3[%add3A_4] : memref<6144xi32, #tpu.memory_space<hbm>> -> memref<48xi32, #tpu.memory_space<hbm>>
      tpu.wait_dma2 semaphore(%run_scoped3A : memref<!tpu.dma_semaphore, #tpu.memory_space<semaphore_mem>>) src(%dma_wait3A_42 : memref<48xi32, #tpu.memory_space<hbm>>) dst(%arg5 : memref<48xi32, #tpu.memory_space<vmem>>)
      tpu.yield
    }) : () -> ()
    %add3A_5 = arith.constant 48 : i32
    %add3A_6 = arith.addi %mul3A_2, %add3A_5 : i32
    "tpu.region"() ({
      %run_scoped3A = tpu.sem_alloc : memref<!tpu.dma_semaphore, #tpu.memory_space<semaphore_mem>>
      %dma_start3A_39 = tpu.memref_slice %arg3[%add3A_6] : memref<6144xi32, #tpu.memory_space<hbm>> -> memref<48xi32, #tpu.memory_space<hbm>>
      %dma_start3A_40 = tpu.memref_slice %arg3[%add3A_6] : memref<6144xi32, #tpu.memory_space<hbm>> -> memref<48xi32, #tpu.memory_space<hbm>>
      tpu.enqueue_dma source(%dma_start3A_40 : memref<48xi32, #tpu.memory_space<hbm>>) target(%arg6 : memref<48xi32, #tpu.memory_space<vmem>>) target_semaphore(%run_scoped3A : memref<!tpu.dma_semaphore, #tpu.memory_space<semaphore_mem>>)
      %dma_wait3A_41 = tpu.memref_slice %arg3[%add3A_6] : memref<6144xi32, #tpu.memory_space<hbm>> -> memref<48xi32, #tpu.memory_space<hbm>>
      %dma_wait3A_42 = tpu.memref_slice %arg3[%add3A_6] : memref<6144xi32, #tpu.memory_space<hbm>> -> memref<48xi32, #tpu.memory_space<hbm>>
      tpu.wait_dma2 semaphore(%run_scoped3A : memref<!tpu.dma_semaphore, #tpu.memory_space<semaphore_mem>>) src(%dma_wait3A_42 : memref<48xi32, #tpu.memory_space<hbm>>) dst(%arg6 : memref<48xi32, #tpu.memory_space<vmem>>)
      tpu.yield
    }) : () -> ()
    %add3A_7 = arith.constant 96 : i32
    %add3A_8 = arith.addi %mul3A_2, %add3A_7 : i32
    "tpu.region"() ({
      %run_scoped3A = tpu.sem_alloc : memref<!tpu.dma_semaphore, #tpu.memory_space<semaphore_mem>>
      %dma_start3A_39 = tpu.memref_slice %arg3[%add3A_8] : memref<6144xi32, #tpu.memory_space<hbm>> -> memref<48xi32, #tpu.memory_space<hbm>>
      %dma_start3A_40 = tpu.memref_slice %arg3[%add3A_8] : memref<6144xi32, #tpu.memory_space<hbm>> -> memref<48xi32, #tpu.memory_space<hbm>>
      tpu.enqueue_dma source(%dma_start3A_40 : memref<48xi32, #tpu.memory_space<hbm>>) target(%arg7 : memref<48xi32, #tpu.memory_space<vmem>>) target_semaphore(%run_scoped3A : memref<!tpu.dma_semaphore, #tpu.memory_space<semaphore_mem>>)
      %dma_wait3A_41 = tpu.memref_slice %arg3[%add3A_8] : memref<6144xi32, #tpu.memory_space<hbm>> -> memref<48xi32, #tpu.memory_space<hbm>>
      %dma_wait3A_42 = tpu.memref_slice %arg3[%add3A_8] : memref<6144xi32, #tpu.memory_space<hbm>> -> memref<48xi32, #tpu.memory_space<hbm>>
      tpu.wait_dma2 semaphore(%run_scoped3A : memref<!tpu.dma_semaphore, #tpu.memory_space<semaphore_mem>>) src(%dma_wait3A_42 : memref<48xi32, #tpu.memory_space<hbm>>) dst(%arg7 : memref<48xi32, #tpu.memory_space<vmem>>)
      tpu.yield
    }) : () -> ()
    %add3A_9 = arith.constant 144 : i32
    %add3A_10 = arith.addi %mul3A_2, %add3A_9 : i32
    "tpu.region"() ({
      %run_scoped3A = tpu.sem_alloc : memref<!tpu.dma_semaphore, #tpu.memory_space<semaphore_mem>>
      %dma_start3A_39 = tpu.memref_slice %arg3[%add3A_10] : memref<6144xi32, #tpu.memory_space<hbm>> -> memref<48xi32, #tpu.memory_space<hbm>>
      %dma_start3A_40 = tpu.memref_slice %arg3[%add3A_10] : memref<6144xi32, #tpu.memory_space<hbm>> -> memref<48xi32, #tpu.memory_space<hbm>>
      tpu.enqueue_dma source(%dma_start3A_40 : memref<48xi32, #tpu.memory_space<hbm>>) target(%arg8 : memref<48xi32, #tpu.memory_space<vmem>>) target_semaphore(%run_scoped3A : memref<!tpu.dma_semaphore, #tpu.memory_space<semaphore_mem>>)
      %dma_wait3A_41 = tpu.memref_slice %arg3[%add3A_10] : memref<6144xi32, #tpu.memory_space<hbm>> -> memref<48xi32, #tpu.memory_space<hbm>>
      %dma_wait3A_42 = tpu.memref_slice %arg3[%add3A_10] : memref<6144xi32, #tpu.memory_space<hbm>> -> memref<48xi32, #tpu.memory_space<hbm>>
      tpu.wait_dma2 semaphore(%run_scoped3A : memref<!tpu.dma_semaphore, #tpu.memory_space<semaphore_mem>>) src(%dma_wait3A_42 : memref<48xi32, #tpu.memory_space<hbm>>) dst(%arg8 : memref<48xi32, #tpu.memory_space<vmem>>)
      tpu.yield
    }) : () -> ()
    %dma_start3A = arith.constant 0 : i32
    %dma_start3A_11 = arith.constant 0 : i32
    %dma_start3A_12 = tpu.memref_slice %arg2[%dma_start3A, %dma_start3A_11] : memref<2048x512xf32, #tpu.memory_space<hbm>> -> memref<2048x512xf32, #tpu.memory_space<hbm>>
    tpu.enqueue_indirect_dma source(%dma_start3A_12 : memref<2048x512xf32, #tpu.memory_space<hbm>>) target(%arg9 : memref<48x512xf32, #tpu.memory_space<vmem>>) offsets(%arg5 : memref<48xi32, #tpu.memory_space<vmem>>) semaphore(%arg11 : memref<!tpu.dma_semaphore, #tpu.memory_space<semaphore_mem>>)
    %dma_start3A_13 = arith.constant 0 : i32
    %dma_start3A_14 = arith.constant 0 : i32
    %dma_start3A_15 = tpu.memref_slice %arg2[%dma_start3A_13, %dma_start3A_14] : memref<2048x512xf32, #tpu.memory_space<hbm>> -> memref<2048x512xf32, #tpu.memory_space<hbm>>
    tpu.enqueue_indirect_dma source(%dma_start3A_15 : memref<2048x512xf32, #tpu.memory_space<hbm>>) target(%arg10 : memref<48x512xf32, #tpu.memory_space<vmem>>) offsets(%arg6 : memref<48xi32, #tpu.memory_space<vmem>>) semaphore(%arg12 : memref<!tpu.dma_semaphore, #tpu.memory_space<semaphore_mem>>)
    %dma_wait3A = arith.constant 0 : i32
    %dma_wait3A_16 = arith.constant 0 : i32
    %dma_wait3A_17 = tpu.memref_slice %arg2[%dma_wait3A, %dma_wait3A_16] : memref<2048x512xf32, #tpu.memory_space<hbm>> -> memref<2048x512xf32, #tpu.memory_space<hbm>>
    tpu.wait_indirect_dma semaphore(%arg11 : memref<!tpu.dma_semaphore, #tpu.memory_space<semaphore_mem>>) src(%dma_wait3A_17 : memref<2048x512xf32, #tpu.memory_space<hbm>>) dst(%arg9 : memref<48x512xf32, #tpu.memory_space<vmem>>)
    "tpu.region"() ({
      %run_scoped3A = tpu.sem_alloc : memref<!tpu.dma_semaphore, #tpu.memory_space<semaphore_mem>>
      %dma_start3A_39 = arith.constant 0 : i32
      %dma_start3A_40 = tpu.memref_slice %arg4[%mul3A_2, %dma_start3A_39] : memref<6144x512xf32, #tpu.memory_space<hbm>> -> memref<48x512xf32, #tpu.memory_space<hbm>>
      %dma_start3A_41 = arith.constant 0 : i32
      %dma_start3A_42 = tpu.memref_slice %arg4[%mul3A_2, %dma_start3A_41] : memref<6144x512xf32, #tpu.memory_space<hbm>> -> memref<48x512xf32, #tpu.memory_space<hbm>>
      tpu.enqueue_dma source(%arg9 : memref<48x512xf32, #tpu.memory_space<vmem>>) target(%dma_start3A_42 : memref<48x512xf32, #tpu.memory_space<hbm>>) target_semaphore(%run_scoped3A : memref<!tpu.dma_semaphore, #tpu.memory_space<semaphore_mem>>)
      %dma_wait3A_43 = arith.constant 0 : i32
      %dma_wait3A_44 = tpu.memref_slice %arg4[%mul3A_2, %dma_wait3A_43] : memref<6144x512xf32, #tpu.memory_space<hbm>> -> memref<48x512xf32, #tpu.memory_space<hbm>>
      %dma_wait3A_45 = arith.constant 0 : i32
      %dma_wait3A_46 = tpu.memref_slice %arg4[%mul3A_2, %dma_wait3A_45] : memref<6144x512xf32, #tpu.memory_space<hbm>> -> memref<48x512xf32, #tpu.memory_space<hbm>>
      tpu.wait_dma2 semaphore(%run_scoped3A : memref<!tpu.dma_semaphore, #tpu.memory_space<semaphore_mem>>) src(%arg9 : memref<48x512xf32, #tpu.memory_space<vmem>>) dst(%dma_wait3A_46 : memref<48x512xf32, #tpu.memory_space<hbm>>)
      tpu.yield
    }) : () -> ()
    %dma_start3A_18 = arith.constant 0 : i32
    %dma_start3A_19 = arith.constant 0 : i32
    %dma_start3A_20 = tpu.memref_slice %arg2[%dma_start3A_18, %dma_start3A_19] : memref<2048x512xf32, #tpu.memory_space<hbm>> -> memref<2048x512xf32, #tpu.memory_space<hbm>>
    tpu.enqueue_indirect_dma source(%dma_start3A_20 : memref<2048x512xf32, #tpu.memory_space<hbm>>) target(%arg9 : memref<48x512xf32, #tpu.memory_space<vmem>>) offsets(%arg7 : memref<48xi32, #tpu.memory_space<vmem>>) semaphore(%arg11 : memref<!tpu.dma_semaphore, #tpu.memory_space<semaphore_mem>>)
    %dma_wait3A_21 = arith.constant 0 : i32
    %dma_wait3A_22 = arith.constant 0 : i32
    %dma_wait3A_23 = tpu.memref_slice %arg2[%dma_wait3A_21, %dma_wait3A_22] : memref<2048x512xf32, #tpu.memory_space<hbm>> -> memref<2048x512xf32, #tpu.memory_space<hbm>>
    tpu.wait_indirect_dma semaphore(%arg12 : memref<!tpu.dma_semaphore, #tpu.memory_space<semaphore_mem>>) src(%dma_wait3A_23 : memref<2048x512xf32, #tpu.memory_space<hbm>>) dst(%arg10 : memref<48x512xf32, #tpu.memory_space<vmem>>)
    %add3A_24 = arith.constant 48 : i32
    %add3A_25 = arith.addi %mul3A_2, %add3A_24 : i32
    "tpu.region"() ({
      %run_scoped3A = tpu.sem_alloc : memref<!tpu.dma_semaphore, #tpu.memory_space<semaphore_mem>>
      %dma_start3A_39 = arith.constant 0 : i32
      %dma_start3A_40 = tpu.memref_slice %arg4[%add3A_25, %dma_start3A_39] : memref<6144x512xf32, #tpu.memory_space<hbm>> -> memref<48x512xf32, #tpu.memory_space<hbm>>
      %dma_start3A_41 = arith.constant 0 : i32
      %dma_start3A_42 = tpu.memref_slice %arg4[%add3A_25, %dma_start3A_41] : memref<6144x512xf32, #tpu.memory_space<hbm>> -> memref<48x512xf32, #tpu.memory_space<hbm>>
      tpu.enqueue_dma source(%arg10 : memref<48x512xf32, #tpu.memory_space<vmem>>) target(%dma_start3A_42 : memref<48x512xf32, #tpu.memory_space<hbm>>) target_semaphore(%run_scoped3A : memref<!tpu.dma_semaphore, #tpu.memory_space<semaphore_mem>>)
      %dma_wait3A_43 = arith.constant 0 : i32
      %dma_wait3A_44 = tpu.memref_slice %arg4[%add3A_25, %dma_wait3A_43] : memref<6144x512xf32, #tpu.memory_space<hbm>> -> memref<48x512xf32, #tpu.memory_space<hbm>>
      %dma_wait3A_45 = arith.constant 0 : i32
      %dma_wait3A_46 = tpu.memref_slice %arg4[%add3A_25, %dma_wait3A_45] : memref<6144x512xf32, #tpu.memory_space<hbm>> -> memref<48x512xf32, #tpu.memory_space<hbm>>
      tpu.wait_dma2 semaphore(%run_scoped3A : memref<!tpu.dma_semaphore, #tpu.memory_space<semaphore_mem>>) src(%arg10 : memref<48x512xf32, #tpu.memory_space<vmem>>) dst(%dma_wait3A_46 : memref<48x512xf32, #tpu.memory_space<hbm>>)
      tpu.yield
    }) : () -> ()
    %dma_start3A_26 = arith.constant 0 : i32
    %dma_start3A_27 = arith.constant 0 : i32
    %dma_start3A_28 = tpu.memref_slice %arg2[%dma_start3A_26, %dma_start3A_27] : memref<2048x512xf32, #tpu.memory_space<hbm>> -> memref<2048x512xf32, #tpu.memory_space<hbm>>
    tpu.enqueue_indirect_dma source(%dma_start3A_28 : memref<2048x512xf32, #tpu.memory_space<hbm>>) target(%arg10 : memref<48x512xf32, #tpu.memory_space<vmem>>) offsets(%arg8 : memref<48xi32, #tpu.memory_space<vmem>>) semaphore(%arg12 : memref<!tpu.dma_semaphore, #tpu.memory_space<semaphore_mem>>)
    %dma_wait3A_29 = arith.constant 0 : i32
    %dma_wait3A_30 = arith.constant 0 : i32
    %dma_wait3A_31 = tpu.memref_slice %arg2[%dma_wait3A_29, %dma_wait3A_30] : memref<2048x512xf32, #tpu.memory_space<hbm>> -> memref<2048x512xf32, #tpu.memory_space<hbm>>
    tpu.wait_indirect_dma semaphore(%arg11 : memref<!tpu.dma_semaphore, #tpu.memory_space<semaphore_mem>>) src(%dma_wait3A_31 : memref<2048x512xf32, #tpu.memory_space<hbm>>) dst(%arg9 : memref<48x512xf32, #tpu.memory_space<vmem>>)
    %add3A_32 = arith.constant 96 : i32
    %add3A_33 = arith.addi %mul3A_2, %add3A_32 : i32
    "tpu.region"() ({
      %run_scoped3A = tpu.sem_alloc : memref<!tpu.dma_semaphore, #tpu.memory_space<semaphore_mem>>
      %dma_start3A_39 = arith.constant 0 : i32
      %dma_start3A_40 = tpu.memref_slice %arg4[%add3A_33, %dma_start3A_39] : memref<6144x512xf32, #tpu.memory_space<hbm>> -> memref<48x512xf32, #tpu.memory_space<hbm>>
      %dma_start3A_41 = arith.constant 0 : i32
      %dma_start3A_42 = tpu.memref_slice %arg4[%add3A_33, %dma_start3A_41] : memref<6144x512xf32, #tpu.memory_space<hbm>> -> memref<48x512xf32, #tpu.memory_space<hbm>>
      tpu.enqueue_dma source(%arg9 : memref<48x512xf32, #tpu.memory_space<vmem>>) target(%dma_start3A_42 : memref<48x512xf32, #tpu.memory_space<hbm>>) target_semaphore(%run_scoped3A : memref<!tpu.dma_semaphore, #tpu.memory_space<semaphore_mem>>)
      %dma_wait3A_43 = arith.constant 0 : i32
      %dma_wait3A_44 = tpu.memref_slice %arg4[%add3A_33, %dma_wait3A_43] : memref<6144x512xf32, #tpu.memory_space<hbm>> -> memref<48x512xf32, #tpu.memory_space<hbm>>
      %dma_wait3A_45 = arith.constant 0 : i32
      %dma_wait3A_46 = tpu.memref_slice %arg4[%add3A_33, %dma_wait3A_45] : memref<6144x512xf32, #tpu.memory_space<hbm>> -> memref<48x512xf32, #tpu.memory_space<hbm>>
      tpu.wait_dma2 semaphore(%run_scoped3A : memref<!tpu.dma_semaphore, #tpu.memory_space<semaphore_mem>>) src(%arg9 : memref<48x512xf32, #tpu.memory_space<vmem>>) dst(%dma_wait3A_46 : memref<48x512xf32, #tpu.memory_space<hbm>>)
      tpu.yield
    }) : () -> ()
    %dma_wait3A_34 = arith.constant 0 : i32
    %dma_wait3A_35 = arith.constant 0 : i32
    %dma_wait3A_36 = tpu.memref_slice %arg2[%dma_wait3A_34, %dma_wait3A_35] : memref<2048x512xf32, #tpu.memory_space<hbm>> -> memref<2048x512xf32, #tpu.memory_space<hbm>>
    tpu.wait_indirect_dma semaphore(%arg12 : memref<!tpu.dma_semaphore, #tpu.memory_space<semaphore_mem>>) src(%dma_wait3A_36 : memref<2048x512xf32, #tpu.memory_space<hbm>>) dst(%arg10 : memref<48x512xf32, #tpu.memory_space<vmem>>)
    %add3A_37 = arith.constant 144 : i32
    %add3A_38 = arith.addi %mul3A_2, %add3A_37 : i32
    "tpu.region"() ({
      %run_scoped3A = tpu.sem_alloc : memref<!tpu.dma_semaphore, #tpu.memory_space<semaphore_mem>>
      %dma_start3A_39 = arith.constant 0 : i32
      %dma_start3A_40 = tpu.memref_slice %arg4[%add3A_38, %dma_start3A_39] : memref<6144x512xf32, #tpu.memory_space<hbm>> -> memref<48x512xf32, #tpu.memory_space<hbm>>
      %dma_start3A_41 = arith.constant 0 : i32
      %dma_start3A_42 = tpu.memref_slice %arg4[%add3A_38, %dma_start3A_41] : memref<6144x512xf32, #tpu.memory_space<hbm>> -> memref<48x512xf32, #tpu.memory_space<hbm>>
      tpu.enqueue_dma source(%arg10 : memref<48x512xf32, #tpu.memory_space<vmem>>) target(%dma_start3A_42 : memref<48x512xf32, #tpu.memory_space<hbm>>) target_semaphore(%run_scoped3A : memref<!tpu.dma_semaphore, #tpu.memory_space<semaphore_mem>>)
      %dma_wait3A_43 = arith.constant 0 : i32
      %dma_wait3A_44 = tpu.memref_slice %arg4[%add3A_38, %dma_wait3A_43] : memref<6144x512xf32, #tpu.memory_space<hbm>> -> memref<48x512xf32, #tpu.memory_space<hbm>>
      %dma_wait3A_45 = arith.constant 0 : i32
      %dma_wait3A_46 = tpu.memref_slice %arg4[%add3A_38, %dma_wait3A_45] : memref<6144x512xf32, #tpu.memory_space<hbm>> -> memref<48x512xf32, #tpu.memory_space<hbm>>
      tpu.wait_dma2 semaphore(%run_scoped3A : memref<!tpu.dma_semaphore, #tpu.memory_space<semaphore_mem>>) src(%arg10 : memref<48x512xf32, #tpu.memory_space<vmem>>) dst(%dma_wait3A_46 : memref<48x512xf32, #tpu.memory_space<hbm>>)
      tpu.yield
    }) : () -> ()
    return
  }
}

module attributes {stable_mosaic.version = 14 : i64} {
  func.func @_router_body(%arg0: memref<2048x1024xf32, #tpu.memory_space<vmem>>, %arg1: memref<8x1024xf32, #tpu.memory_space<vmem>>, %arg2: memref<1x8xf32, #tpu.memory_space<vmem>>, %arg3: memref<2048x2xi32, #tpu.memory_space<vmem>>, %arg4: memref<2048x2xf32, #tpu.memory_space<vmem>>, %arg5: memref<1x8xi32, #tpu.memory_space<vmem>>, %arg6: memref<2048x512xf32, #tpu.memory_space<vmem>>) attributes {dimension_semantics = [], scalar_prefetch = 0 : i64, scratch_operands = 0 : i64, tpu.core_type = #tpu.core_type<tc>} {
    %get3A = arith.constant 0 : index
    %get3A_0 = arith.constant 0 : index
    %get3A_1 = vector.load %arg0[%get3A, %get3A_0] : memref<2048x1024xf32, #tpu.memory_space<vmem>>, vector<2048x1024xf32>
    %get3A_2 = arith.constant 0 : index
    %get3A_3 = arith.constant 0 : index
    %get3A_4 = vector.load %arg1[%get3A_2, %get3A_3] : memref<8x1024xf32, #tpu.memory_space<vmem>>, vector<8x1024xf32>
    %dot_general3A = arith.constant dense<0.000000e+00> : vector<2048x8xf32>
    %dot_general3A_5 = tpu.matmul %get3A_1, %get3A_4, %dot_general3A {dimension_numbers = #tpu.dot_dimension_numbers<[1], [1], [0], [0], [0, 0, 1, 0], [], []>, transpose_lhs_hint = false} : vector<2048x1024xf32>, vector<8x1024xf32>, vector<2048x8xf32> -> vector<2048x8xf32>
    %logistic3A = arith.negf %dot_general3A_5 : vector<2048x8xf32>
    %logistic3A_6 = math.exp %logistic3A : vector<2048x8xf32>
    %logistic3A_7 = arith.constant 1.000000e+00 : f32
    %logistic3A_8 = vector.broadcast %logistic3A_7 : f32 to vector<2048x8xf32>
    %logistic3A_9 = arith.addf %logistic3A_8, %logistic3A_6 : vector<2048x8xf32>
    %logistic3A_10 = arith.divf %logistic3A_8, %logistic3A_9 : vector<2048x8xf32>
    %get3A_11 = arith.constant 0 : index
    %get3A_12 = arith.constant 0 : index
    %get3A_13 = vector.load %arg2[%get3A_11, %get3A_12] : memref<1x8xf32, #tpu.memory_space<vmem>>, vector<1x8xf32>
    %add3A = vector.broadcast %get3A_13 : vector<1x8xf32> to vector<2048x8xf32>
    %add3A_14 = arith.addf %logistic3A_10, %add3A : vector<2048x8xf32>
    %iota3A = tpu.iota {dimensions = array<i32: 1>} : vector<2048x8xi32>
    %reduce_max3A = arith.constant dense<0xFF800000> : vector<2048xf32>
    %reduce_max3A_15 = vector.multi_reduction <maximumf>, %add3A_14, %reduce_max3A [1] : vector<2048x8xf32> to vector<2048xf32>
    %broadcast_in_dim3A = vector.shape_cast %reduce_max3A_15 : vector<2048xf32> to vector<2048x1xf32>
    %ge3A = vector.broadcast %broadcast_in_dim3A : vector<2048x1xf32> to vector<2048x8xf32>
    %ge3A_16 = arith.cmpf oge, %add3A_14, %ge3A : vector<2048x8xf32>
    %jit3A = arith.constant 8 : i32
    %broadcast_in_dim3A_17 = vector.broadcast %jit3A : i32 to vector<2048x8xi32>
    %select_n3A = arith.select %ge3A_16, %iota3A, %broadcast_in_dim3A_17 : vector<2048x8xi1>, vector<2048x8xi32>
    %reduce_min3A = arith.constant dense<2147483647> : vector<2048xi32>
    %reduce_min3A_18 = vector.multi_reduction <minsi>, %select_n3A, %reduce_min3A [1] : vector<2048x8xi32> to vector<2048xi32>
    %broadcast_in_dim3A_19 = vector.shape_cast %reduce_min3A_18 : vector<2048xi32> to vector<2048x1xi32>
    %eq3A = vector.broadcast %broadcast_in_dim3A_19 : vector<2048x1xi32> to vector<2048x8xi32>
    %eq3A_20 = arith.cmpi eq, %iota3A, %eq3A : vector<2048x8xi32>
    %jit3A_21 = arith.constant 0.000000e+00 : f32
    %broadcast_in_dim3A_22 = vector.broadcast %jit3A_21 : f32 to vector<2048x8xf32>
    %select_n3A_23 = arith.select %eq3A_20, %logistic3A_10, %broadcast_in_dim3A_22 : vector<2048x8xi1>, vector<2048x8xf32>
    %reduce_sum3A = arith.constant dense<0.000000e+00> : vector<2048xf32>
    %reduce_sum3A_24 = vector.multi_reduction <add>, %select_n3A_23, %reduce_sum3A [1] : vector<2048x8xf32> to vector<2048xf32>
    %broadcast_in_dim3A_25 = vector.shape_cast %reduce_sum3A_24 : vector<2048xf32> to vector<2048x1xf32>
    %eq3A_26 = vector.broadcast %broadcast_in_dim3A_19 : vector<2048x1xi32> to vector<2048x8xi32>
    %eq3A_27 = arith.cmpi eq, %iota3A, %eq3A_26 : vector<2048x8xi32>
    %jit3A_28 = arith.constant 0xFF800000 : f32
    %broadcast_in_dim3A_29 = vector.broadcast %jit3A_28 : f32 to vector<2048x8xf32>
    %select_n3A_30 = arith.select %eq3A_27, %broadcast_in_dim3A_29, %add3A_14 : vector<2048x8xi1>, vector<2048x8xf32>
    %reduce_max3A_31 = arith.constant dense<0xFF800000> : vector<2048xf32>
    %reduce_max3A_32 = vector.multi_reduction <maximumf>, %select_n3A_30, %reduce_max3A_31 [1] : vector<2048x8xf32> to vector<2048xf32>
    %broadcast_in_dim3A_33 = vector.shape_cast %reduce_max3A_32 : vector<2048xf32> to vector<2048x1xf32>
    %ge3A_34 = vector.broadcast %broadcast_in_dim3A_33 : vector<2048x1xf32> to vector<2048x8xf32>
    %ge3A_35 = arith.cmpf oge, %select_n3A_30, %ge3A_34 : vector<2048x8xf32>
    %jit3A_36 = arith.constant 8 : i32
    %broadcast_in_dim3A_37 = vector.broadcast %jit3A_36 : i32 to vector<2048x8xi32>
    %select_n3A_38 = arith.select %ge3A_35, %iota3A, %broadcast_in_dim3A_37 : vector<2048x8xi1>, vector<2048x8xi32>
    %reduce_min3A_39 = arith.constant dense<2147483647> : vector<2048xi32>
    %reduce_min3A_40 = vector.multi_reduction <minsi>, %select_n3A_38, %reduce_min3A_39 [1] : vector<2048x8xi32> to vector<2048xi32>
    %broadcast_in_dim3A_41 = vector.shape_cast %reduce_min3A_40 : vector<2048xi32> to vector<2048x1xi32>
    %eq3A_42 = vector.broadcast %broadcast_in_dim3A_41 : vector<2048x1xi32> to vector<2048x8xi32>
    %eq3A_43 = arith.cmpi eq, %iota3A, %eq3A_42 : vector<2048x8xi32>
    %jit3A_44 = arith.constant 0.000000e+00 : f32
    %broadcast_in_dim3A_45 = vector.broadcast %jit3A_44 : f32 to vector<2048x8xf32>
    %select_n3A_46 = arith.select %eq3A_43, %logistic3A_10, %broadcast_in_dim3A_45 : vector<2048x8xi1>, vector<2048x8xf32>
    %reduce_sum3A_47 = arith.constant dense<0.000000e+00> : vector<2048xf32>
    %reduce_sum3A_48 = vector.multi_reduction <add>, %select_n3A_46, %reduce_sum3A_47 [1] : vector<2048x8xf32> to vector<2048xf32>
    %broadcast_in_dim3A_49 = vector.shape_cast %reduce_sum3A_48 : vector<2048xf32> to vector<2048x1xf32>
    %add3A_50 = arith.addf %broadcast_in_dim3A_25, %broadcast_in_dim3A_49 : vector<2048x1xf32>
    %add3A_51 = arith.constant 9.99999968E-21 : f32
    %add3A_52 = vector.broadcast %add3A_51 : f32 to vector<2048x1xf32>
    %add3A_53 = arith.addf %add3A_50, %add3A_52 : vector<2048x1xf32>
    %div3A = arith.divf %broadcast_in_dim3A_25, %add3A_53 : vector<2048x1xf32>
    %div3A_54 = arith.divf %broadcast_in_dim3A_49, %add3A_53 : vector<2048x1xf32>
    %concatenate3A = tpu.concatenate %div3A, %div3A_54 in 1 : vector<2048x1xf32>, vector<2048x1xf32> -> vector<2048x2xf32>
    %swap3A = arith.constant 0 : index
    %swap3A_55 = arith.constant 0 : index
    %swap3A_56 = vector.load %arg4[%swap3A, %swap3A_55] : memref<2048x2xf32, #tpu.memory_space<vmem>>, vector<2048x2xf32>
    tpu.vector_store %arg4[%swap3A, %swap3A_55], %concatenate3A {strides = array<i32>} : memref<2048x2xf32, #tpu.memory_space<vmem>>, vector<2048x2xf32>,
    %eq3A_57 = vector.broadcast %broadcast_in_dim3A_19 : vector<2048x1xi32> to vector<2048x8xi32>
    %eq3A_58 = arith.cmpi eq, %iota3A, %eq3A_57 : vector<2048x8xi32>
    %eq3A_59 = vector.broadcast %broadcast_in_dim3A_41 : vector<2048x1xi32> to vector<2048x8xi32>
    %eq3A_60 = arith.cmpi eq, %iota3A, %eq3A_59 : vector<2048x8xi32>
    %convert_element_type3A = arith.extui %eq3A_58 : vector<2048x8xi1> to vector<2048x8xi32>
    %convert_element_type3A_61 = arith.extui %eq3A_60 : vector<2048x8xi1> to vector<2048x8xi32>
    %add3A_62 = arith.addi %convert_element_type3A, %convert_element_type3A_61 : vector<2048x8xi32>
    %broadcast_in_dim3A_63 = arith.constant 0 : i32
    %broadcast_in_dim3A_64 = vector.broadcast %broadcast_in_dim3A_63 : i32 to vector<1x8xi32>
    %slice3A = vector.extract_strided_slice %add3A_62 {offsets = [0, 0], sizes = [2047, 8], strides = [1, 1]} : vector<2048x8xi32> to vector<2047x8xi32>
    %concatenate3A_65 = tpu.concatenate %broadcast_in_dim3A_64, %slice3A in 0 : vector<1x8xi32>, vector<2047x8xi32> -> vector<2048x8xi32>
    %add3A_66 = arith.addi %add3A_62, %concatenate3A_65 : vector<2048x8xi32>
    %broadcast_in_dim3A_67 = arith.constant 0 : i32
    %broadcast_in_dim3A_68 = vector.broadcast %broadcast_in_dim3A_67 : i32 to vector<2x8xi32>
    %slice3A_69 = vector.extract_strided_slice %add3A_66 {offsets = [0, 0], sizes = [2046, 8], strides = [1, 1]} : vector<2048x8xi32> to vector<2046x8xi32>
    %concatenate3A_70 = tpu.concatenate %broadcast_in_dim3A_68, %slice3A_69 in 0 : vector<2x8xi32>, vector<2046x8xi32> -> vector<2048x8xi32>
    %add3A_71 = arith.addi %add3A_66, %concatenate3A_70 : vector<2048x8xi32>
    %broadcast_in_dim3A_72 = arith.constant 0 : i32
    %broadcast_in_dim3A_73 = vector.broadcast %broadcast_in_dim3A_72 : i32 to vector<4x8xi32>
    %slice3A_74 = vector.extract_strided_slice %add3A_71 {offsets = [0, 0], sizes = [2044, 8], strides = [1, 1]} : vector<2048x8xi32> to vector<2044x8xi32>
    %concatenate3A_75 = tpu.concatenate %broadcast_in_dim3A_73, %slice3A_74 in 0 : vector<4x8xi32>, vector<2044x8xi32> -> vector<2048x8xi32>
    %add3A_76 = arith.addi %add3A_71, %concatenate3A_75 : vector<2048x8xi32>
    %broadcast_in_dim3A_77 = arith.constant 0 : i32
    %broadcast_in_dim3A_78 = vector.broadcast %broadcast_in_dim3A_77 : i32 to vector<8x8xi32>
    %slice3A_79 = vector.extract_strided_slice %add3A_76 {offsets = [0, 0], sizes = [2040, 8], strides = [1, 1]} : vector<2048x8xi32> to vector<2040x8xi32>
    %concatenate3A_80 = tpu.concatenate %broadcast_in_dim3A_78, %slice3A_79 in 0 : vector<8x8xi32>, vector<2040x8xi32> -> vector<2048x8xi32>
    %add3A_81 = arith.addi %add3A_76, %concatenate3A_80 : vector<2048x8xi32>
    %broadcast_in_dim3A_82 = arith.constant 0 : i32
    %broadcast_in_dim3A_83 = vector.broadcast %broadcast_in_dim3A_82 : i32 to vector<16x8xi32>
    %slice3A_84 = vector.extract_strided_slice %add3A_81 {offsets = [0, 0], sizes = [2032, 8], strides = [1, 1]} : vector<2048x8xi32> to vector<2032x8xi32>
    %concatenate3A_85 = tpu.concatenate %broadcast_in_dim3A_83, %slice3A_84 in 0 : vector<16x8xi32>, vector<2032x8xi32> -> vector<2048x8xi32>
    %add3A_86 = arith.addi %add3A_81, %concatenate3A_85 : vector<2048x8xi32>
    %broadcast_in_dim3A_87 = arith.constant 0 : i32
    %broadcast_in_dim3A_88 = vector.broadcast %broadcast_in_dim3A_87 : i32 to vector<32x8xi32>
    %slice3A_89 = vector.extract_strided_slice %add3A_86 {offsets = [0, 0], sizes = [2016, 8], strides = [1, 1]} : vector<2048x8xi32> to vector<2016x8xi32>
    %concatenate3A_90 = tpu.concatenate %broadcast_in_dim3A_88, %slice3A_89 in 0 : vector<32x8xi32>, vector<2016x8xi32> -> vector<2048x8xi32>
    %add3A_91 = arith.addi %add3A_86, %concatenate3A_90 : vector<2048x8xi32>
    %broadcast_in_dim3A_92 = arith.constant 0 : i32
    %broadcast_in_dim3A_93 = vector.broadcast %broadcast_in_dim3A_92 : i32 to vector<64x8xi32>
    %slice3A_94 = vector.extract_strided_slice %add3A_91 {offsets = [0, 0], sizes = [1984, 8], strides = [1, 1]} : vector<2048x8xi32> to vector<1984x8xi32>
    %concatenate3A_95 = tpu.concatenate %broadcast_in_dim3A_93, %slice3A_94 in 0 : vector<64x8xi32>, vector<1984x8xi32> -> vector<2048x8xi32>
    %add3A_96 = arith.addi %add3A_91, %concatenate3A_95 : vector<2048x8xi32>
    %broadcast_in_dim3A_97 = arith.constant 0 : i32
    %broadcast_in_dim3A_98 = vector.broadcast %broadcast_in_dim3A_97 : i32 to vector<128x8xi32>
    %slice3A_99 = vector.extract_strided_slice %add3A_96 {offsets = [0, 0], sizes = [1920, 8], strides = [1, 1]} : vector<2048x8xi32> to vector<1920x8xi32>
    %concatenate3A_100 = tpu.concatenate %broadcast_in_dim3A_98, %slice3A_99 in 0 : vector<128x8xi32>, vector<1920x8xi32> -> vector<2048x8xi32>
    %add3A_101 = arith.addi %add3A_96, %concatenate3A_100 : vector<2048x8xi32>
    %broadcast_in_dim3A_102 = arith.constant 0 : i32
    %broadcast_in_dim3A_103 = vector.broadcast %broadcast_in_dim3A_102 : i32 to vector<256x8xi32>
    %slice3A_104 = vector.extract_strided_slice %add3A_101 {offsets = [0, 0], sizes = [1792, 8], strides = [1, 1]} : vector<2048x8xi32> to vector<1792x8xi32>
    %concatenate3A_105 = tpu.concatenate %broadcast_in_dim3A_103, %slice3A_104 in 0 : vector<256x8xi32>, vector<1792x8xi32> -> vector<2048x8xi32>
    %add3A_106 = arith.addi %add3A_101, %concatenate3A_105 : vector<2048x8xi32>
    %broadcast_in_dim3A_107 = arith.constant 0 : i32
    %broadcast_in_dim3A_108 = vector.broadcast %broadcast_in_dim3A_107 : i32 to vector<512x8xi32>
    %slice3A_109 = vector.extract_strided_slice %add3A_106 {offsets = [0, 0], sizes = [1536, 8], strides = [1, 1]} : vector<2048x8xi32> to vector<1536x8xi32>
    %concatenate3A_110 = tpu.concatenate %broadcast_in_dim3A_108, %slice3A_109 in 0 : vector<512x8xi32>, vector<1536x8xi32> -> vector<2048x8xi32>
    %add3A_111 = arith.addi %add3A_106, %concatenate3A_110 : vector<2048x8xi32>
    %broadcast_in_dim3A_112 = arith.constant 0 : i32
    %broadcast_in_dim3A_113 = vector.broadcast %broadcast_in_dim3A_112 : i32 to vector<1024x8xi32>
    %slice3A_114 = vector.extract_strided_slice %add3A_111 {offsets = [0, 0], sizes = [1024, 8], strides = [1, 1]} : vector<2048x8xi32> to vector<1024x8xi32>
    %concatenate3A_115 = tpu.concatenate %broadcast_in_dim3A_113, %slice3A_114 in 0 : vector<1024x8xi32>, vector<1024x8xi32> -> vector<2048x8xi32>
    %add3A_116 = arith.addi %add3A_111, %concatenate3A_115 : vector<2048x8xi32>
    %sub3A = arith.subi %add3A_116, %add3A_62 : vector<2048x8xi32>
    %slice3A_117 = vector.extract_strided_slice %add3A_116 {offsets = [2047, 0], sizes = [1, 8], strides = [1, 1]} : vector<2048x8xi32> to vector<1x8xi32>
    %add3A_118 = arith.constant 255 : i32
    %add3A_119 = vector.broadcast %add3A_118 : i32 to vector<1x8xi32>
    %add3A_120 = arith.addi %slice3A_117, %add3A_119 : vector<1x8xi32>
    %jit3A_121 = arith.constant 256 : i32
    %div3A_122 = vector.broadcast %jit3A_121 : i32 to vector<1x8xi32>
    %div3A_123 = arith.divsi %add3A_120, %div3A_122 : vector<1x8xi32>
    %sign3A = arith.constant 0 : i32
    %sign3A_124 = vector.broadcast %sign3A : i32 to vector<1x8xi32>
    %sign3A_125 = arith.cmpi sgt, %add3A_120, %sign3A_124 : vector<1x8xi32>
    %sign3A_126 = arith.extui %sign3A_125 : vector<1x8xi1> to vector<1x8xi32>
    %sign3A_127 = arith.constant 0 : i32
    %sign3A_128 = vector.broadcast %sign3A_127 : i32 to vector<1x8xi32>
    %sign3A_129 = arith.cmpi slt, %add3A_120, %sign3A_128 : vector<1x8xi32>
    %sign3A_130 = arith.extui %sign3A_129 : vector<1x8xi1> to vector<1x8xi32>
    %sign3A_131 = arith.subi %sign3A_126, %sign3A_130 : vector<1x8xi32>
    %sign3A_132 = arith.constant 0 : i32
    %sign3A_133 = arith.cmpi sgt, %jit3A_121, %sign3A_132 : i32
    %sign3A_134 = arith.extui %sign3A_133 : i1 to i32
    %sign3A_135 = arith.constant 0 : i32
    %sign3A_136 = arith.cmpi slt, %jit3A_121, %sign3A_135 : i32
    %sign3A_137 = arith.extui %sign3A_136 : i1 to i32
    %sign3A_138 = arith.subi %sign3A_134, %sign3A_137 : i32
    %ne3A = vector.broadcast %sign3A_138 : i32 to vector<1x8xi32>
    %ne3A_139 = arith.cmpi ne, %sign3A_131, %ne3A : vector<1x8xi32>
    %rem3A = vector.broadcast %jit3A_121 : i32 to vector<1x8xi32>
    %rem3A_140 = arith.remsi %add3A_120, %rem3A : vector<1x8xi32>
    %ne3A_141 = arith.constant 0 : i32
    %ne3A_142 = vector.broadcast %ne3A_141 : i32 to vector<1x8xi32>
    %ne3A_143 = arith.cmpi ne, %rem3A_140, %ne3A_142 : vector<1x8xi32>
    %and3A = arith.andi %ne3A_139, %ne3A_143 : vector<1x8xi1>
    %sub3A_144 = arith.constant 1 : i32
    %sub3A_145 = vector.broadcast %sub3A_144 : i32 to vector<1x8xi32>
    %sub3A_146 = arith.subi %div3A_123, %sub3A_145 : vector<1x8xi32>
    %select_n3A_147 = arith.select %and3A, %sub3A_146, %div3A_123 : vector<1x8xi1>, vector<1x8xi32>
    %mul3A = arith.constant 256 : i32
    %mul3A_148 = vector.broadcast %mul3A : i32 to vector<1x8xi32>
    %mul3A_149 = arith.muli %select_n3A_147, %mul3A_148 : vector<1x8xi32>
    %broadcast_in_dim3A_150 = arith.constant 0 : i32
    %broadcast_in_dim3A_151 = vector.broadcast %broadcast_in_dim3A_150 : i32 to vector<1x8xi32>
    %broadcast_in_dim3A_152 = arith.constant 0 : i32
    %broadcast_in_dim3A_153 = vector.broadcast %broadcast_in_dim3A_152 : i32 to vector<1x1xi32>
    %slice3A_154 = vector.extract_strided_slice %mul3A_149 {offsets = [0, 0], sizes = [1, 7], strides = [1, 1]} : vector<1x8xi32> to vector<1x7xi32>
    %concatenate3A_155 = tpu.concatenate %broadcast_in_dim3A_153, %slice3A_154 in 1 : vector<1x1xi32>, vector<1x7xi32> -> vector<1x8xi32>
    %add3A_156 = arith.addi %broadcast_in_dim3A_151, %concatenate3A_155 : vector<1x8xi32>
    %broadcast_in_dim3A_157 = arith.constant 0 : i32
    %broadcast_in_dim3A_158 = vector.broadcast %broadcast_in_dim3A_157 : i32 to vector<1x2xi32>
    %slice3A_159 = vector.extract_strided_slice %mul3A_149 {offsets = [0, 0], sizes = [1, 6], strides = [1, 1]} : vector<1x8xi32> to vector<1x6xi32>
    %concatenate3A_160 = tpu.concatenate %broadcast_in_dim3A_158, %slice3A_159 in 1 : vector<1x2xi32>, vector<1x6xi32> -> vector<1x8xi32>
    %add3A_161 = arith.addi %add3A_156, %concatenate3A_160 : vector<1x8xi32>
    %broadcast_in_dim3A_162 = arith.constant 0 : i32
    %broadcast_in_dim3A_163 = vector.broadcast %broadcast_in_dim3A_162 : i32 to vector<1x3xi32>
    %slice3A_164 = vector.extract_strided_slice %mul3A_149 {offsets = [0, 0], sizes = [1, 5], strides = [1, 1]} : vector<1x8xi32> to vector<1x5xi32>
    %concatenate3A_165 = tpu.concatenate %broadcast_in_dim3A_163, %slice3A_164 in 1 : vector<1x3xi32>, vector<1x5xi32> -> vector<1x8xi32>
    %add3A_166 = arith.addi %add3A_161, %concatenate3A_165 : vector<1x8xi32>
    %broadcast_in_dim3A_167 = arith.constant 0 : i32
    %broadcast_in_dim3A_168 = vector.broadcast %broadcast_in_dim3A_167 : i32 to vector<1x4xi32>
    %slice3A_169 = vector.extract_strided_slice %mul3A_149 {offsets = [0, 0], sizes = [1, 4], strides = [1, 1]} : vector<1x8xi32> to vector<1x4xi32>
    %concatenate3A_170 = tpu.concatenate %broadcast_in_dim3A_168, %slice3A_169 in 1 : vector<1x4xi32>, vector<1x4xi32> -> vector<1x8xi32>
    %add3A_171 = arith.addi %add3A_166, %concatenate3A_170 : vector<1x8xi32>
    %broadcast_in_dim3A_172 = arith.constant 0 : i32
    %broadcast_in_dim3A_173 = vector.broadcast %broadcast_in_dim3A_172 : i32 to vector<1x5xi32>
    %slice3A_174 = vector.extract_strided_slice %mul3A_149 {offsets = [0, 0], sizes = [1, 3], strides = [1, 1]} : vector<1x8xi32> to vector<1x3xi32>
    %concatenate3A_175 = tpu.concatenate %broadcast_in_dim3A_173, %slice3A_174 in 1 : vector<1x5xi32>, vector<1x3xi32> -> vector<1x8xi32>
    %add3A_176 = arith.addi %add3A_171, %concatenate3A_175 : vector<1x8xi32>
    %broadcast_in_dim3A_177 = arith.constant 0 : i32
    %broadcast_in_dim3A_178 = vector.broadcast %broadcast_in_dim3A_177 : i32 to vector<1x6xi32>
    %slice3A_179 = vector.extract_strided_slice %mul3A_149 {offsets = [0, 0], sizes = [1, 2], strides = [1, 1]} : vector<1x8xi32> to vector<1x2xi32>
    %concatenate3A_180 = tpu.concatenate %broadcast_in_dim3A_178, %slice3A_179 in 1 : vector<1x6xi32>, vector<1x2xi32> -> vector<1x8xi32>
    %add3A_181 = arith.addi %add3A_176, %concatenate3A_180 : vector<1x8xi32>
    %broadcast_in_dim3A_182 = arith.constant 0 : i32
    %broadcast_in_dim3A_183 = vector.broadcast %broadcast_in_dim3A_182 : i32 to vector<1x7xi32>
    %slice3A_184 = vector.extract_strided_slice %mul3A_149 {offsets = [0, 0], sizes = [1, 1], strides = [1, 1]} : vector<1x8xi32> to vector<1x1xi32>
    %concatenate3A_185 = tpu.concatenate %broadcast_in_dim3A_183, %slice3A_184 in 1 : vector<1x7xi32>, vector<1x1xi32> -> vector<1x8xi32>
    %add3A_186 = arith.addi %add3A_181, %concatenate3A_185 : vector<1x8xi32>
    %add3A_187 = vector.broadcast %add3A_186 : vector<1x8xi32> to vector<2048x8xi32>
    %add3A_188 = arith.addi %add3A_187, %sub3A : vector<2048x8xi32>
    %jit3A_189 = arith.constant 0 : i32
    %broadcast_in_dim3A_190 = vector.broadcast %jit3A_189 : i32 to vector<2048x8xi32>
    %select_n3A_191 = arith.select %eq3A_58, %add3A_188, %broadcast_in_dim3A_190 : vector<2048x8xi1>, vector<2048x8xi32>
    %reduce_sum3A_192 = arith.constant dense<0> : vector<2048xi32>
    %reduce_sum3A_193 = vector.multi_reduction <add>, %select_n3A_191, %reduce_sum3A_192 [1] : vector<2048x8xi32> to vector<2048xi32>
    %broadcast_in_dim3A_194 = vector.shape_cast %reduce_sum3A_193 : vector<2048xi32> to vector<2048x1xi32>
    %jit3A_195 = arith.constant 0 : i32
    %broadcast_in_dim3A_196 = vector.broadcast %jit3A_195 : i32 to vector<2048x8xi32>
    %select_n3A_197 = arith.select %eq3A_60, %add3A_188, %broadcast_in_dim3A_196 : vector<2048x8xi1>, vector<2048x8xi32>
    %reduce_sum3A_198 = arith.constant dense<0> : vector<2048xi32>
    %reduce_sum3A_199 = vector.multi_reduction <add>, %select_n3A_197, %reduce_sum3A_198 [1] : vector<2048x8xi32> to vector<2048xi32>
    %broadcast_in_dim3A_200 = vector.shape_cast %reduce_sum3A_199 : vector<2048xi32> to vector<2048x1xi32>
    %concatenate3A_201 = tpu.concatenate %broadcast_in_dim3A_194, %broadcast_in_dim3A_200 in 1 : vector<2048x1xi32>, vector<2048x1xi32> -> vector<2048x2xi32>
    %swap3A_202 = arith.constant 0 : index
    %swap3A_203 = arith.constant 0 : index
    %swap3A_204 = vector.load %arg3[%swap3A_202, %swap3A_203] : memref<2048x2xi32, #tpu.memory_space<vmem>>, vector<2048x2xi32>
    tpu.vector_store %arg3[%swap3A_202, %swap3A_203], %concatenate3A_201 {strides = array<i32>} : memref<2048x2xi32, #tpu.memory_space<vmem>>, vector<2048x2xi32>,
    %swap3A_205 = arith.constant 0 : index
    %swap3A_206 = arith.constant 0 : index
    %swap3A_207 = vector.load %arg5[%swap3A_205, %swap3A_206] : memref<1x8xi32, #tpu.memory_space<vmem>>, vector<1x8xi32>
    tpu.vector_store %arg5[%swap3A_205, %swap3A_206], %slice3A_117 {strides = array<i32>} : memref<1x8xi32, #tpu.memory_space<vmem>>, vector<1x8xi32>,
    %bitcast3A = tpu.bitcast %get3A_1 : vector<2048x1024xf32> -> vector<2048x1024xi32>
    %slice3A_208 = vector.extract_strided_slice %bitcast3A {offsets = [0, 0], sizes = [2048, 512], strides = [1, 1]} : vector<2048x1024xi32> to vector<2048x512xi32>
    %add3A_209 = arith.constant 32767 : i32
    %add3A_210 = vector.broadcast %add3A_209 : i32 to vector<2048x512xi32>
    %add3A_211 = arith.addi %slice3A_208, %add3A_210 : vector<2048x512xi32>
    %shift_right_logical3A = arith.constant 16 : i32
    %shift_right_logical3A_212 = vector.broadcast %shift_right_logical3A : i32 to vector<2048x512xi32>
    %shift_right_logical3A_213 = arith.shrui %slice3A_208, %shift_right_logical3A_212 : vector<2048x512xi32>
    %and3A_214 = arith.constant 1 : i32
    %and3A_215 = vector.broadcast %and3A_214 : i32 to vector<2048x512xi32>
    %and3A_216 = arith.andi %shift_right_logical3A_213, %and3A_215 : vector<2048x512xi32>
    %add3A_217 = arith.addi %add3A_211, %and3A_216 : vector<2048x512xi32>
    %shift_right_logical3A_218 = arith.constant 16 : i32
    %shift_right_logical3A_219 = vector.broadcast %shift_right_logical3A_218 : i32 to vector<2048x512xi32>
    %shift_right_logical3A_220 = arith.shrui %add3A_217, %shift_right_logical3A_219 : vector<2048x512xi32>
    %slice3A_221 = vector.extract_strided_slice %bitcast3A {offsets = [0, 512], sizes = [2048, 512], strides = [1, 1]} : vector<2048x1024xi32> to vector<2048x512xi32>
    %add3A_222 = arith.constant 32767 : i32
    %add3A_223 = vector.broadcast %add3A_222 : i32 to vector<2048x512xi32>
    %add3A_224 = arith.addi %slice3A_221, %add3A_223 : vector<2048x512xi32>
    %shift_right_logical3A_225 = arith.constant 16 : i32
    %shift_right_logical3A_226 = vector.broadcast %shift_right_logical3A_225 : i32 to vector<2048x512xi32>
    %shift_right_logical3A_227 = arith.shrui %slice3A_221, %shift_right_logical3A_226 : vector<2048x512xi32>
    %and3A_228 = arith.constant 1 : i32
    %and3A_229 = vector.broadcast %and3A_228 : i32 to vector<2048x512xi32>
    %and3A_230 = arith.andi %shift_right_logical3A_227, %and3A_229 : vector<2048x512xi32>
    %add3A_231 = arith.addi %add3A_224, %and3A_230 : vector<2048x512xi32>
    %shift_right_logical3A_232 = arith.constant 16 : i32
    %shift_right_logical3A_233 = vector.broadcast %shift_right_logical3A_232 : i32 to vector<2048x512xi32>
    %shift_right_logical3A_234 = arith.shrui %add3A_231, %shift_right_logical3A_233 : vector<2048x512xi32>
    %shift_left3A = arith.constant 16 : i32
    %shift_left3A_235 = vector.broadcast %shift_left3A : i32 to vector<2048x512xi32>
    %shift_left3A_236 = arith.shli %shift_right_logical3A_234, %shift_left3A_235 : vector<2048x512xi32>
    %or3A = arith.ori %shift_right_logical3A_220, %shift_left3A_236 : vector<2048x512xi32>
    %bitcast3A_237 = tpu.bitcast %or3A : vector<2048x512xi32> -> vector<2048x512xf32>
    %swap3A_238 = arith.constant 0 : index
    %swap3A_239 = arith.constant 0 : index
    %swap3A_240 = vector.load %arg6[%swap3A_238, %swap3A_239] : memref<2048x512xf32, #tpu.memory_space<vmem>>, vector<2048x512xf32>
    tpu.vector_store %arg6[%swap3A_238, %swap3A_239], %bitcast3A_237 {strides = array<i32>} : memref<2048x512xf32, #tpu.memory_space<vmem>>, vector<2048x512xf32>,
    return
  }
}

module attributes {stable_mosaic.version = 14 : i64} {
  func.func @_shared_body(%arg0: i32, %arg1: memref<512x512xf32, #tpu.memory_space<vmem>>, %arg2: memref<512x1024xf32, #tpu.memory_space<vmem>>, %arg3: memref<512x1024xf32, #tpu.memory_space<vmem>>, %arg4: memref<1024x512xf32, #tpu.memory_space<vmem>>, %arg5: memref<512x512xf32, #tpu.memory_space<vmem>>, %arg6: memref<512x512xf32, #tpu.memory_space<vmem>>, %arg7: memref<512x1024xf32, #tpu.memory_space<vmem>>, %arg8: memref<512x1024xbf16, #tpu.memory_space<vmem>>, %arg9: memref<512x1024xbf16, #tpu.memory_space<vmem>>, %arg10: memref<1024x512xbf16, #tpu.memory_space<vmem>>) attributes {dimension_semantics = [#tpu.dimension_semantics<arbitrary>], iteration_bounds = array<i64: 4>, scalar_prefetch = 0 : i64, scratch_operands = 3 : i64, tpu.core_type = #tpu.core_type<tc>, window_params = [{transform_indices = @transform_0, window_bounds = array<i64: 512, 512>}, {pipeline_mode = #tpu.pipeline_mode<synchronous>, transform_indices = @transform_1, window_bounds = array<i64: 512, 1024>}, {pipeline_mode = #tpu.pipeline_mode<synchronous>, transform_indices = @transform_2, window_bounds = array<i64: 512, 1024>}, {pipeline_mode = #tpu.pipeline_mode<synchronous>, transform_indices = @transform_3, window_bounds = array<i64: 1024, 512>}, {transform_indices = @transform_4, window_bounds = array<i64: 512, 512>}, {transform_indices = @transform_5, window_bounds = array<i64: 512, 512>}, {transform_indices = @transform_6, window_bounds = array<i64: 512, 1024>}]} {
    %eq3A = arith.constant 0 : i32
    %eq3A_0 = arith.cmpi eq, %arg0, %eq3A : i32
    %convert_element_type3A = arith.extui %eq3A_0 : i1 to i32
    %cond3A = arith.constant 0 : i32
    %cond3A_1 = arith.cmpi ne, %convert_element_type3A, %cond3A : i32
    scf.if %cond3A_1 {
      %get3A_86 = arith.constant 0 : index
      %get3A_87 = arith.constant 0 : index
      %get3A_88 = vector.load %arg2[%get3A_86, %get3A_87] : memref<512x1024xf32, #tpu.memory_space<vmem>>, vector<512x1024xf32>
      %convert_element_type3A_89 = arith.truncf %get3A_88 : vector<512x1024xf32> to vector<512x1024xbf16>
      %swap3A_90 = arith.constant 0 : index
      %swap3A_91 = arith.constant 0 : index
      %swap3A_92 = vector.load %arg8[%swap3A_90, %swap3A_91] : memref<512x1024xbf16, #tpu.memory_space<vmem>>, vector<512x1024xbf16>
      tpu.vector_store %arg8[%swap3A_90, %swap3A_91], %convert_element_type3A_89 {strides = array<i32>} : memref<512x1024xbf16, #tpu.memory_space<vmem>>, vector<512x1024xbf16>,
      %get3A_93 = arith.constant 0 : index
      %get3A_94 = arith.constant 0 : index
      %get3A_95 = vector.load %arg3[%get3A_93, %get3A_94] : memref<512x1024xf32, #tpu.memory_space<vmem>>, vector<512x1024xf32>
      %convert_element_type3A_96 = arith.truncf %get3A_95 : vector<512x1024xf32> to vector<512x1024xbf16>
      %swap3A_97 = arith.constant 0 : index
      %swap3A_98 = arith.constant 0 : index
      %swap3A_99 = vector.load %arg9[%swap3A_97, %swap3A_98] : memref<512x1024xbf16, #tpu.memory_space<vmem>>, vector<512x1024xbf16>
      tpu.vector_store %arg9[%swap3A_97, %swap3A_98], %convert_element_type3A_96 {strides = array<i32>} : memref<512x1024xbf16, #tpu.memory_space<vmem>>, vector<512x1024xbf16>,
      %get3A_100 = arith.constant 0 : index
      %get3A_101 = arith.constant 0 : index
      %get3A_102 = vector.load %arg4[%get3A_100, %get3A_101] : memref<1024x512xf32, #tpu.memory_space<vmem>>, vector<1024x512xf32>
      %convert_element_type3A_103 = arith.truncf %get3A_102 : vector<1024x512xf32> to vector<1024x512xbf16>
      %swap3A_104 = arith.constant 0 : index
      %swap3A_105 = arith.constant 0 : index
      %swap3A_106 = vector.load %arg10[%swap3A_104, %swap3A_105] : memref<1024x512xbf16, #tpu.memory_space<vmem>>, vector<1024x512xbf16>
      tpu.vector_store %arg10[%swap3A_104, %swap3A_105], %convert_element_type3A_103 {strides = array<i32>} : memref<1024x512xbf16, #tpu.memory_space<vmem>>, vector<1024x512xbf16>,
    } else {
    }
    %get3A = arith.constant 0 : index
    %get3A_2 = arith.constant 0 : index
    %get3A_3 = vector.load %arg1[%get3A, %get3A_2] : memref<512x512xf32, #tpu.memory_space<vmem>>, vector<512x512xf32>
    %bitcast3A = tpu.bitcast %get3A_3 : vector<512x512xf32> -> vector<512x512xi32>
    %shift_left3A = arith.constant 16 : i32
    %shift_left3A_4 = vector.broadcast %shift_left3A : i32 to vector<512x512xi32>
    %shift_left3A_5 = arith.shli %bitcast3A, %shift_left3A_4 : vector<512x512xi32>
    %bitcast3A_6 = tpu.bitcast %shift_left3A_5 : vector<512x512xi32> -> vector<512x512xf32>
    %convert_element_type3A_7 = arith.truncf %bitcast3A_6 : vector<512x512xf32> to vector<512x512xbf16>
    %and3A = arith.constant -65536 : i32
    %and3A_8 = vector.broadcast %and3A : i32 to vector<512x512xi32>
    %and3A_9 = arith.andi %bitcast3A, %and3A_8 : vector<512x512xi32>
    %bitcast3A_10 = tpu.bitcast %and3A_9 : vector<512x512xi32> -> vector<512x512xf32>
    %convert_element_type3A_11 = arith.truncf %bitcast3A_10 : vector<512x512xf32> to vector<512x512xbf16>
    %get3A_12 = arith.constant 0 : index
    %get3A_13 = arith.constant 0 : index
    %get3A_14 = vector.load %arg8[%get3A_12, %get3A_13] : memref<512x1024xbf16, #tpu.memory_space<vmem>>, vector<512x512xbf16>
    %dot_general3A = arith.constant dense<0.000000e+00> : vector<512x512xf32>
    %dot_general3A_15 = tpu.matmul %convert_element_type3A_7, %get3A_14, %dot_general3A {dimension_numbers = #tpu.dot_dimension_numbers<[1], [1], [0], [0], [0, 0, 1, 0], [], []>, transpose_lhs_hint = false} : vector<512x512xbf16>, vector<512x512xbf16>, vector<512x512xf32> -> vector<512x512xf32>
    %get3A_16 = arith.constant 0 : index
    %get3A_17 = arith.constant 512 : index
    %get3A_18 = vector.load %arg8[%get3A_16, %get3A_17] : memref<512x1024xbf16, #tpu.memory_space<vmem>>, vector<512x512xbf16>
    %dot_general3A_19 = arith.constant dense<0.000000e+00> : vector<512x512xf32>
    %dot_general3A_20 = tpu.matmul %convert_element_type3A_11, %get3A_18, %dot_general3A_19 {dimension_numbers = #tpu.dot_dimension_numbers<[1], [1], [0], [0], [0, 0, 1, 0], [], []>, transpose_lhs_hint = false} : vector<512x512xbf16>, vector<512x512xbf16>, vector<512x512xf32> -> vector<512x512xf32>
    %add3A = arith.addf %dot_general3A_15, %dot_general3A_20 : vector<512x512xf32>
    %get3A_21 = arith.constant 0 : index
    %get3A_22 = arith.constant 0 : index
    %get3A_23 = vector.load %arg9[%get3A_21, %get3A_22] : memref<512x1024xbf16, #tpu.memory_space<vmem>>, vector<512x512xbf16>
    %dot_general3A_24 = arith.constant dense<0.000000e+00> : vector<512x512xf32>
    %dot_general3A_25 = tpu.matmul %convert_element_type3A_7, %get3A_23, %dot_general3A_24 {dimension_numbers = #tpu.dot_dimension_numbers<[1], [1], [0], [0], [0, 0, 1, 0], [], []>, transpose_lhs_hint = false} : vector<512x512xbf16>, vector<512x512xbf16>, vector<512x512xf32> -> vector<512x512xf32>
    %get3A_26 = arith.constant 0 : index
    %get3A_27 = arith.constant 512 : index
    %get3A_28 = vector.load %arg9[%get3A_26, %get3A_27] : memref<512x1024xbf16, #tpu.memory_space<vmem>>, vector<512x512xbf16>
    %dot_general3A_29 = arith.constant dense<0.000000e+00> : vector<512x512xf32>
    %dot_general3A_30 = tpu.matmul %convert_element_type3A_11, %get3A_28, %dot_general3A_29 {dimension_numbers = #tpu.dot_dimension_numbers<[1], [1], [0], [0], [0, 0, 1, 0], [], []>, transpose_lhs_hint = false} : vector<512x512xbf16>, vector<512x512xbf16>, vector<512x512xf32> -> vector<512x512xf32>
    %add3A_31 = arith.addf %dot_general3A_25, %dot_general3A_30 : vector<512x512xf32>
    %logistic3A = arith.negf %add3A : vector<512x512xf32>
    %logistic3A_32 = math.exp %logistic3A : vector<512x512xf32>
    %logistic3A_33 = arith.constant 1.000000e+00 : f32
    %logistic3A_34 = vector.broadcast %logistic3A_33 : f32 to vector<512x512xf32>
    %logistic3A_35 = arith.addf %logistic3A_34, %logistic3A_32 : vector<512x512xf32>
    %logistic3A_36 = arith.divf %logistic3A_34, %logistic3A_35 : vector<512x512xf32>
    %mul3A = arith.mulf %add3A, %logistic3A_36 : vector<512x512xf32>
    %mul3A_37 = arith.mulf %mul3A, %add3A_31 : vector<512x512xf32>
    %convert_element_type3A_38 = arith.truncf %mul3A_37 : vector<512x512xf32> to vector<512x512xbf16>
    %get3A_39 = arith.constant 0 : index
    %get3A_40 = arith.constant 0 : index
    %get3A_41 = vector.load %arg10[%get3A_39, %get3A_40] : memref<1024x512xbf16, #tpu.memory_space<vmem>>, vector<1024x512xbf16>
    %dot_general3A_42 = arith.constant dense<0.000000e+00> : vector<512x1024xf32>
    %dot_general3A_43 = tpu.matmul %convert_element_type3A_38, %get3A_41, %dot_general3A_42 {dimension_numbers = #tpu.dot_dimension_numbers<[1], [1], [0], [0], [0, 0, 1, 0], [], []>, transpose_lhs_hint = false} : vector<512x512xbf16>, vector<1024x512xbf16>, vector<512x1024xf32> -> vector<512x1024xf32>
    %get3A_44 = arith.constant 0 : index
    %get3A_45 = arith.constant 0 : index
    %get3A_46 = vector.load %arg5[%get3A_44, %get3A_45] : memref<512x512xf32, #tpu.memory_space<vmem>>, vector<512x512xf32>
    %bitcast3A_47 = tpu.bitcast %get3A_46 : vector<512x512xf32> -> vector<512x512xi32>
    %shift_left3A_48 = arith.constant 16 : i32
    %shift_left3A_49 = vector.broadcast %shift_left3A_48 : i32 to vector<512x512xi32>
    %shift_left3A_50 = arith.shli %bitcast3A_47, %shift_left3A_49 : vector<512x512xi32>
    %bitcast3A_51 = tpu.bitcast %shift_left3A_50 : vector<512x512xi32> -> vector<512x512xf32>
    %convert_element_type3A_52 = arith.truncf %bitcast3A_51 : vector<512x512xf32> to vector<512x512xbf16>
    %and3A_53 = arith.constant -65536 : i32
    %and3A_54 = vector.broadcast %and3A_53 : i32 to vector<512x512xi32>
    %and3A_55 = arith.andi %bitcast3A_47, %and3A_54 : vector<512x512xi32>
    %bitcast3A_56 = tpu.bitcast %and3A_55 : vector<512x512xi32> -> vector<512x512xf32>
    %convert_element_type3A_57 = arith.truncf %bitcast3A_56 : vector<512x512xf32> to vector<512x512xbf16>
    %get3A_58 = arith.constant 0 : index
    %get3A_59 = arith.constant 0 : index
    %get3A_60 = vector.load %arg6[%get3A_58, %get3A_59] : memref<512x512xf32, #tpu.memory_space<vmem>>, vector<512x512xf32>
    %bitcast3A_61 = tpu.bitcast %get3A_60 : vector<512x512xf32> -> vector<512x512xi32>
    %shift_left3A_62 = arith.constant 16 : i32
    %shift_left3A_63 = vector.broadcast %shift_left3A_62 : i32 to vector<512x512xi32>
    %shift_left3A_64 = arith.shli %bitcast3A_61, %shift_left3A_63 : vector<512x512xi32>
    %bitcast3A_65 = tpu.bitcast %shift_left3A_64 : vector<512x512xi32> -> vector<512x512xf32>
    %convert_element_type3A_66 = arith.truncf %bitcast3A_65 : vector<512x512xf32> to vector<512x512xbf16>
    %and3A_67 = arith.constant -65536 : i32
    %and3A_68 = vector.broadcast %and3A_67 : i32 to vector<512x512xi32>
    %and3A_69 = arith.andi %bitcast3A_61, %and3A_68 : vector<512x512xi32>
    %bitcast3A_70 = tpu.bitcast %and3A_69 : vector<512x512xi32> -> vector<512x512xf32>
    %convert_element_type3A_71 = arith.truncf %bitcast3A_70 : vector<512x512xf32> to vector<512x512xbf16>
    %slice3A = vector.extract_strided_slice %dot_general3A_43 {offsets = [0, 0], sizes = [512, 512], strides = [1, 1]} : vector<512x1024xf32> to vector<512x512xf32>
    %convert_element_type3A_72 = arith.extf %convert_element_type3A_52 : vector<512x512xbf16> to vector<512x512xf32>
    %add3A_73 = arith.addf %slice3A, %convert_element_type3A_72 : vector<512x512xf32>
    %convert_element_type3A_74 = arith.extf %convert_element_type3A_66 : vector<512x512xbf16> to vector<512x512xf32>
    %add3A_75 = arith.addf %add3A_73, %convert_element_type3A_74 : vector<512x512xf32>
    %swap3A = arith.constant 0 : index
    %swap3A_76 = arith.constant 0 : index
    %swap3A_77 = vector.load %arg7[%swap3A, %swap3A_76] : memref<512x1024xf32, #tpu.memory_space<vmem>>, vector<512x512xf32>
    tpu.vector_store %arg7[%swap3A, %swap3A_76], %add3A_75 {strides = array<i32>} : memref<512x1024xf32, #tpu.memory_space<vmem>>, vector<512x512xf32>,
    %slice3A_78 = vector.extract_strided_slice %dot_general3A_43 {offsets = [0, 512], sizes = [512, 512], strides = [1, 1]} : vector<512x1024xf32> to vector<512x512xf32>
    %convert_element_type3A_79 = arith.extf %convert_element_type3A_57 : vector<512x512xbf16> to vector<512x512xf32>
    %add3A_80 = arith.addf %slice3A_78, %convert_element_type3A_79 : vector<512x512xf32>
    %convert_element_type3A_81 = arith.extf %convert_element_type3A_71 : vector<512x512xbf16> to vector<512x512xf32>
    %add3A_82 = arith.addf %add3A_80, %convert_element_type3A_81 : vector<512x512xf32>
    %swap3A_83 = arith.constant 0 : index
    %swap3A_84 = arith.constant 512 : index
    %swap3A_85 = vector.load %arg7[%swap3A_83, %swap3A_84] : memref<512x1024xf32, #tpu.memory_space<vmem>>, vector<512x512xf32>
    tpu.vector_store %arg7[%swap3A_83, %swap3A_84], %add3A_82 {strides = array<i32>} : memref<512x1024xf32, #tpu.memory_space<vmem>>, vector<512x512xf32>,
    return
  }
  func.func @transform_0(%arg0: i32) -> (i32, i32) {
    %c0_i32 = arith.constant 0 : i32
    %c0_i32_0 = arith.constant 0 : i32
    return %arg0, %c0_i32 : i32, i32
  }
  func.func @transform_1(%arg0: i32) -> (i32, i32) {
    %c0_i32 = arith.constant 0 : i32
    %c0_i32_0 = arith.constant 0 : i32
    %c0_i32_1 = arith.constant 0 : i32
    return %c0_i32, %c0_i32_0 : i32, i32
  }
  func.func @transform_2(%arg0: i32) -> (i32, i32) {
    %c0_i32 = arith.constant 0 : i32
    %c0_i32_0 = arith.constant 0 : i32
    %c0_i32_1 = arith.constant 0 : i32
    return %c0_i32, %c0_i32_0 : i32, i32
  }
  func.func @transform_3(%arg0: i32) -> (i32, i32) {
    %c0_i32 = arith.constant 0 : i32
    %c0_i32_0 = arith.constant 0 : i32
    %c0_i32_1 = arith.constant 0 : i32
    return %c0_i32, %c0_i32_0 : i32, i32
  }
  func.func @transform_4(%arg0: i32) -> (i32, i32) {
    %c0_i32 = arith.constant 0 : i32
    %c0_i32_0 = arith.constant 0 : i32
    return %arg0, %c0_i32 : i32, i32
  }
  func.func @transform_5(%arg0: i32) -> (i32, i32) {
    %add3A = arith.constant 4 : i32
    %add3A_0 = arith.addi %arg0, %add3A : i32
    %c0_i32 = arith.constant 0 : i32
    %c0_i32_1 = arith.constant 0 : i32
    return %add3A_0, %c0_i32 : i32, i32
  }
  func.func @transform_6(%arg0: i32) -> (i32, i32) {
    %c0_i32 = arith.constant 0 : i32
    %c0_i32_0 = arith.constant 0 : i32
    return %arg0, %c0_i32 : i32, i32
  }
}

module attributes {stable_mosaic.version = 14 : i64} {
  func.func @_gemm_body(%arg0: i32, %arg1: memref<24xi32, #tpu.memory_space<smem>>, %arg2: memref<1x1x256xf32, #tpu.memory_space<vmem>>, %arg3: memref<256x512xf32, #tpu.memory_space<vmem>>, %arg4: memref<1x512x1024xf32, #tpu.memory_space<vmem>>, %arg5: memref<1x512x1024xf32, #tpu.memory_space<vmem>>, %arg6: memref<1x1024x512xf32, #tpu.memory_space<vmem>>, %arg7: memref<256x512xf32, #tpu.memory_space<vmem>>, %arg8: memref<512x1024xbf16, #tpu.memory_space<vmem>>, %arg9: memref<512x1024xbf16, #tpu.memory_space<vmem>>, %arg10: memref<1024x512xbf16, #tpu.memory_space<vmem>>) attributes {dimension_semantics = [#tpu.dimension_semantics<arbitrary>], iteration_bounds = array<i64: 24>, scalar_prefetch = 1 : i64, scratch_operands = 3 : i64, tpu.core_type = #tpu.core_type<tc>, window_params = [{transform_indices = @transform_0, window_bounds = array<i64: 1, 1, 256>}, {transform_indices = @transform_1, window_bounds = array<i64: 256, 512>}, {transform_indices = @transform_2, window_bounds = array<i64: 1, 512, 1024>}, {transform_indices = @transform_3, window_bounds = array<i64: 1, 512, 1024>}, {transform_indices = @transform_4, window_bounds = array<i64: 1, 1024, 512>}, {transform_indices = @transform_5, window_bounds = array<i64: 256, 512>}]} {
    %eq3A = arith.constant 0 : i32
    %eq3A_0 = arith.cmpi eq, %arg0, %eq3A : i32
    %sub3A = arith.constant 1 : i32
    %sub3A_1 = arith.subi %arg0, %sub3A : i32
    %max3A = arith.constant 0 : i32
    %max3A_2 = arith.maxsi %sub3A_1, %max3A : i32
    %get3A = arith.index_cast %max3A_2 : i32 to index
    %get3A_3 = memref.load %arg1[%get3A] : memref<24xi32, #tpu.memory_space<smem>>
    %jit3A = arith.constant -1 : i32
    %select_n3A = arith.select %eq3A_0, %jit3A, %get3A_3 : i32
    %get3A_4 = arith.index_cast %arg0 : i32 to index
    %get3A_5 = memref.load %arg1[%get3A_4] : memref<24xi32, #tpu.memory_space<smem>>
    %ne3A = arith.cmpi ne, %get3A_5, %select_n3A : i32
    %convert_element_type3A = arith.extui %ne3A : i1 to i32
    %cond3A = arith.constant 0 : i32
    %cond3A_6 = arith.cmpi ne, %convert_element_type3A, %cond3A : i32
    scf.if %cond3A_6 {
      %get3A_90 = arith.constant 0 : index
      %get3A_91 = arith.constant 0 : index
      %get3A_92 = arith.constant 0 : index
      %get3A_93 = vector.load %arg4[%get3A_90, %get3A_91, %get3A_92] : memref<1x512x1024xf32, #tpu.memory_space<vmem>>, vector<1x512x1024xf32>
      %get3A_94 = vector.shape_cast %get3A_93 : vector<1x512x1024xf32> to vector<512x1024xf32>
      %convert_element_type3A_95 = arith.truncf %get3A_94 : vector<512x1024xf32> to vector<512x1024xbf16>
      %swap3A_96 = arith.constant 0 : index
      %swap3A_97 = arith.constant 0 : index
      %swap3A_98 = vector.load %arg8[%swap3A_96, %swap3A_97] : memref<512x1024xbf16, #tpu.memory_space<vmem>>, vector<512x1024xbf16>
      tpu.vector_store %arg8[%swap3A_96, %swap3A_97], %convert_element_type3A_95 {strides = array<i32>} : memref<512x1024xbf16, #tpu.memory_space<vmem>>, vector<512x1024xbf16>,
      %get3A_99 = arith.constant 0 : index
      %get3A_100 = arith.constant 0 : index
      %get3A_101 = arith.constant 0 : index
      %get3A_102 = vector.load %arg5[%get3A_99, %get3A_100, %get3A_101] : memref<1x512x1024xf32, #tpu.memory_space<vmem>>, vector<1x512x1024xf32>
      %get3A_103 = vector.shape_cast %get3A_102 : vector<1x512x1024xf32> to vector<512x1024xf32>
      %convert_element_type3A_104 = arith.truncf %get3A_103 : vector<512x1024xf32> to vector<512x1024xbf16>
      %swap3A_105 = arith.constant 0 : index
      %swap3A_106 = arith.constant 0 : index
      %swap3A_107 = vector.load %arg9[%swap3A_105, %swap3A_106] : memref<512x1024xbf16, #tpu.memory_space<vmem>>, vector<512x1024xbf16>
      tpu.vector_store %arg9[%swap3A_105, %swap3A_106], %convert_element_type3A_104 {strides = array<i32>} : memref<512x1024xbf16, #tpu.memory_space<vmem>>, vector<512x1024xbf16>,
      %get3A_108 = arith.constant 0 : index
      %get3A_109 = arith.constant 0 : index
      %get3A_110 = arith.constant 0 : index
      %get3A_111 = vector.load %arg6[%get3A_108, %get3A_109, %get3A_110] : memref<1x1024x512xf32, #tpu.memory_space<vmem>>, vector<1x1024x512xf32>
      %get3A_112 = vector.shape_cast %get3A_111 : vector<1x1024x512xf32> to vector<1024x512xf32>
      %convert_element_type3A_113 = arith.truncf %get3A_112 : vector<1024x512xf32> to vector<1024x512xbf16>
      %swap3A_114 = arith.constant 0 : index
      %swap3A_115 = arith.constant 0 : index
      %swap3A_116 = vector.load %arg10[%swap3A_114, %swap3A_115] : memref<1024x512xbf16, #tpu.memory_space<vmem>>, vector<1024x512xbf16>
      tpu.vector_store %arg10[%swap3A_114, %swap3A_115], %convert_element_type3A_113 {strides = array<i32>} : memref<1024x512xbf16, #tpu.memory_space<vmem>>, vector<1024x512xbf16>,
    } else {
    }
    %get3A_7 = arith.constant 0 : index
    %get3A_8 = arith.constant 0 : index
    %get3A_9 = vector.load %arg3[%get3A_7, %get3A_8] : memref<256x512xf32, #tpu.memory_space<vmem>>, vector<256x512xf32>
    %bitcast3A = tpu.bitcast %get3A_9 : vector<256x512xf32> -> vector<256x512xi32>
    %shift_left3A = arith.constant 16 : i32
    %shift_left3A_10 = vector.broadcast %shift_left3A : i32 to vector<256x512xi32>
    %shift_left3A_11 = arith.shli %bitcast3A, %shift_left3A_10 : vector<256x512xi32>
    %bitcast3A_12 = tpu.bitcast %shift_left3A_11 : vector<256x512xi32> -> vector<256x512xf32>
    %convert_element_type3A_13 = arith.truncf %bitcast3A_12 : vector<256x512xf32> to vector<256x512xbf16>
    %and3A = arith.constant -65536 : i32
    %and3A_14 = vector.broadcast %and3A : i32 to vector<256x512xi32>
    %and3A_15 = arith.andi %bitcast3A, %and3A_14 : vector<256x512xi32>
    %bitcast3A_16 = tpu.bitcast %and3A_15 : vector<256x512xi32> -> vector<256x512xf32>
    %convert_element_type3A_17 = arith.truncf %bitcast3A_16 : vector<256x512xf32> to vector<256x512xbf16>
    %get3A_18 = arith.constant 0 : index
    %get3A_19 = arith.constant 0 : index
    %get3A_20 = vector.load %arg8[%get3A_18, %get3A_19] : memref<512x1024xbf16, #tpu.memory_space<vmem>>, vector<512x512xbf16>
    %dot_general3A = arith.constant dense<0.000000e+00> : vector<256x512xf32>
    %dot_general3A_21 = tpu.matmul %convert_element_type3A_13, %get3A_20, %dot_general3A {dimension_numbers = #tpu.dot_dimension_numbers<[1], [1], [0], [0], [0, 0, 1, 0], [], []>, transpose_lhs_hint = false} : vector<256x512xbf16>, vector<512x512xbf16>, vector<256x512xf32> -> vector<256x512xf32>
    %get3A_22 = arith.constant 0 : index
    %get3A_23 = arith.constant 512 : index
    %get3A_24 = vector.load %arg8[%get3A_22, %get3A_23] : memref<512x1024xbf16, #tpu.memory_space<vmem>>, vector<512x512xbf16>
    %dot_general3A_25 = arith.constant dense<0.000000e+00> : vector<256x512xf32>
    %dot_general3A_26 = tpu.matmul %convert_element_type3A_17, %get3A_24, %dot_general3A_25 {dimension_numbers = #tpu.dot_dimension_numbers<[1], [1], [0], [0], [0, 0, 1, 0], [], []>, transpose_lhs_hint = false} : vector<256x512xbf16>, vector<512x512xbf16>, vector<256x512xf32> -> vector<256x512xf32>
    %add3A = arith.addf %dot_general3A_21, %dot_general3A_26 : vector<256x512xf32>
    %get3A_27 = arith.constant 0 : index
    %get3A_28 = arith.constant 0 : index
    %get3A_29 = vector.load %arg9[%get3A_27, %get3A_28] : memref<512x1024xbf16, #tpu.memory_space<vmem>>, vector<512x512xbf16>
    %dot_general3A_30 = arith.constant dense<0.000000e+00> : vector<256x512xf32>
    %dot_general3A_31 = tpu.matmul %convert_element_type3A_13, %get3A_29, %dot_general3A_30 {dimension_numbers = #tpu.dot_dimension_numbers<[1], [1], [0], [0], [0, 0, 1, 0], [], []>, transpose_lhs_hint = false} : vector<256x512xbf16>, vector<512x512xbf16>, vector<256x512xf32> -> vector<256x512xf32>
    %get3A_32 = arith.constant 0 : index
    %get3A_33 = arith.constant 512 : index
    %get3A_34 = vector.load %arg9[%get3A_32, %get3A_33] : memref<512x1024xbf16, #tpu.memory_space<vmem>>, vector<512x512xbf16>
    %dot_general3A_35 = arith.constant dense<0.000000e+00> : vector<256x512xf32>
    %dot_general3A_36 = tpu.matmul %convert_element_type3A_17, %get3A_34, %dot_general3A_35 {dimension_numbers = #tpu.dot_dimension_numbers<[1], [1], [0], [0], [0, 0, 1, 0], [], []>, transpose_lhs_hint = false} : vector<256x512xbf16>, vector<512x512xbf16>, vector<256x512xf32> -> vector<256x512xf32>
    %add3A_37 = arith.addf %dot_general3A_31, %dot_general3A_36 : vector<256x512xf32>
    %logistic3A = arith.negf %add3A : vector<256x512xf32>
    %logistic3A_38 = math.exp %logistic3A : vector<256x512xf32>
    %logistic3A_39 = arith.constant 1.000000e+00 : f32
    %logistic3A_40 = vector.broadcast %logistic3A_39 : f32 to vector<256x512xf32>
    %logistic3A_41 = arith.addf %logistic3A_40, %logistic3A_38 : vector<256x512xf32>
    %logistic3A_42 = arith.divf %logistic3A_40, %logistic3A_41 : vector<256x512xf32>
    %mul3A = arith.mulf %add3A, %logistic3A_42 : vector<256x512xf32>
    %mul3A_43 = arith.mulf %mul3A, %add3A_37 : vector<256x512xf32>
    %get3A_44 = arith.constant 0 : index
    %get3A_45 = arith.constant 0 : index
    %get3A_46 = arith.constant 0 : index
    %get3A_47 = vector.load %arg2[%get3A_44, %get3A_45, %get3A_46] : memref<1x1x256xf32, #tpu.memory_space<vmem>>, vector<1x1x256xf32>
    %get3A_48 = vector.shape_cast %get3A_47 : vector<1x1x256xf32> to vector<256xf32>
    %broadcast_in_dim3A = vector.shape_cast %get3A_48 : vector<256xf32> to vector<256x1xf32>
    %mul3A_49 = vector.broadcast %broadcast_in_dim3A : vector<256x1xf32> to vector<256x512xf32>
    %mul3A_50 = arith.mulf %mul3A_43, %mul3A_49 : vector<256x512xf32>
    %convert_element_type3A_51 = arith.truncf %mul3A_50 : vector<256x512xf32> to vector<256x512xbf16>
    %get3A_52 = arith.constant 0 : index
    %get3A_53 = arith.constant 0 : index
    %get3A_54 = vector.load %arg10[%get3A_52, %get3A_53] : memref<1024x512xbf16, #tpu.memory_space<vmem>>, vector<1024x512xbf16>
    %dot_general3A_55 = arith.constant dense<0.000000e+00> : vector<256x1024xf32>
    %dot_general3A_56 = tpu.matmul %convert_element_type3A_51, %get3A_54, %dot_general3A_55 {dimension_numbers = #tpu.dot_dimension_numbers<[1], [1], [0], [0], [0, 0, 1, 0], [], []>, transpose_lhs_hint = false} : vector<256x512xbf16>, vector<1024x512xbf16>, vector<256x1024xf32> -> vector<256x1024xf32>
    %bitcast3A_57 = tpu.bitcast %dot_general3A_56 : vector<256x1024xf32> -> vector<256x1024xi32>
    %slice3A = vector.extract_strided_slice %bitcast3A_57 {offsets = [0, 0], sizes = [256, 512], strides = [1, 1]} : vector<256x1024xi32> to vector<256x512xi32>
    %add3A_58 = arith.constant 32767 : i32
    %add3A_59 = vector.broadcast %add3A_58 : i32 to vector<256x512xi32>
    %add3A_60 = arith.addi %slice3A, %add3A_59 : vector<256x512xi32>
    %shift_right_logical3A = arith.constant 16 : i32
    %shift_right_logical3A_61 = vector.broadcast %shift_right_logical3A : i32 to vector<256x512xi32>
    %shift_right_logical3A_62 = arith.shrui %slice3A, %shift_right_logical3A_61 : vector<256x512xi32>
    %and3A_63 = arith.constant 1 : i32
    %and3A_64 = vector.broadcast %and3A_63 : i32 to vector<256x512xi32>
    %and3A_65 = arith.andi %shift_right_logical3A_62, %and3A_64 : vector<256x512xi32>
    %add3A_66 = arith.addi %add3A_60, %and3A_65 : vector<256x512xi32>
    %shift_right_logical3A_67 = arith.constant 16 : i32
    %shift_right_logical3A_68 = vector.broadcast %shift_right_logical3A_67 : i32 to vector<256x512xi32>
    %shift_right_logical3A_69 = arith.shrui %add3A_66, %shift_right_logical3A_68 : vector<256x512xi32>
    %slice3A_70 = vector.extract_strided_slice %bitcast3A_57 {offsets = [0, 512], sizes = [256, 512], strides = [1, 1]} : vector<256x1024xi32> to vector<256x512xi32>
    %add3A_71 = arith.constant 32767 : i32
    %add3A_72 = vector.broadcast %add3A_71 : i32 to vector<256x512xi32>
    %add3A_73 = arith.addi %slice3A_70, %add3A_72 : vector<256x512xi32>
    %shift_right_logical3A_74 = arith.constant 16 : i32
    %shift_right_logical3A_75 = vector.broadcast %shift_right_logical3A_74 : i32 to vector<256x512xi32>
    %shift_right_logical3A_76 = arith.shrui %slice3A_70, %shift_right_logical3A_75 : vector<256x512xi32>
    %and3A_77 = arith.constant 1 : i32
    %and3A_78 = vector.broadcast %and3A_77 : i32 to vector<256x512xi32>
    %and3A_79 = arith.andi %shift_right_logical3A_76, %and3A_78 : vector<256x512xi32>
    %add3A_80 = arith.addi %add3A_73, %and3A_79 : vector<256x512xi32>
    %shift_right_logical3A_81 = arith.constant 16 : i32
    %shift_right_logical3A_82 = vector.broadcast %shift_right_logical3A_81 : i32 to vector<256x512xi32>
    %shift_right_logical3A_83 = arith.shrui %add3A_80, %shift_right_logical3A_82 : vector<256x512xi32>
    %shift_left3A_84 = arith.constant 16 : i32
    %shift_left3A_85 = vector.broadcast %shift_left3A_84 : i32 to vector<256x512xi32>
    %shift_left3A_86 = arith.shli %shift_right_logical3A_83, %shift_left3A_85 : vector<256x512xi32>
    %or3A = arith.ori %shift_right_logical3A_69, %shift_left3A_86 : vector<256x512xi32>
    %bitcast3A_87 = tpu.bitcast %or3A : vector<256x512xi32> -> vector<256x512xf32>
    %swap3A = arith.constant 0 : index
    %swap3A_88 = arith.constant 0 : index
    %swap3A_89 = vector.load %arg7[%swap3A, %swap3A_88] : memref<256x512xf32, #tpu.memory_space<vmem>>, vector<256x512xf32>
    tpu.vector_store %arg7[%swap3A, %swap3A_88], %bitcast3A_87 {strides = array<i32>} : memref<256x512xf32, #tpu.memory_space<vmem>>, vector<256x512xf32>,
    return
  }
  func.func @transform_0(%arg0: i32, %arg1: memref<24xi32, #tpu.memory_space<smem>>) -> (i32, i32, i32) {
    %c0_i32 = arith.constant 0 : i32
    %c0_i32_0 = arith.constant 0 : i32
    %c0_i32_1 = arith.constant 0 : i32
    return %arg0, %c0_i32, %c0_i32_0 : i32, i32, i32
  }
  func.func @transform_1(%arg0: i32, %arg1: memref<24xi32, #tpu.memory_space<smem>>) -> (i32, i32) {
    %c0_i32 = arith.constant 0 : i32
    %c0_i32_0 = arith.constant 0 : i32
    return %arg0, %c0_i32 : i32, i32
  }
  func.func @transform_2(%arg0: i32, %arg1: memref<24xi32, #tpu.memory_space<smem>>) -> (i32, i32, i32) {
    %get3A = arith.index_cast %arg0 : i32 to index
    %get3A_0 = memref.load %arg1[%get3A] : memref<24xi32, #tpu.memory_space<smem>>
    %c0_i32 = arith.constant 0 : i32
    %c0_i32_1 = arith.constant 0 : i32
    %c0_i32_2 = arith.constant 0 : i32
    return %get3A_0, %c0_i32, %c0_i32_1 : i32, i32, i32
  }
  func.func @transform_3(%arg0: i32, %arg1: memref<24xi32, #tpu.memory_space<smem>>) -> (i32, i32, i32) {
    %get3A = arith.index_cast %arg0 : i32 to index
    %get3A_0 = memref.load %arg1[%get3A] : memref<24xi32, #tpu.memory_space<smem>>
    %c0_i32 = arith.constant 0 : i32
    %c0_i32_1 = arith.constant 0 : i32
    %c0_i32_2 = arith.constant 0 : i32
    return %get3A_0, %c0_i32, %c0_i32_1 : i32, i32, i32
  }
  func.func @transform_4(%arg0: i32, %arg1: memref<24xi32, #tpu.memory_space<smem>>) -> (i32, i32, i32) {
    %get3A = arith.index_cast %arg0 : i32 to index
    %get3A_0 = memref.load %arg1[%get3A] : memref<24xi32, #tpu.memory_space<smem>>
    %c0_i32 = arith.constant 0 : i32
    %c0_i32_1 = arith.constant 0 : i32
    %c0_i32_2 = arith.constant 0 : i32
    return %get3A_0, %c0_i32, %c0_i32_1 : i32, i32, i32
  }
  func.func @transform_5(%arg0: i32, %arg1: memref<24xi32, #tpu.memory_space<smem>>) -> (i32, i32) {
    %c0_i32 = arith.constant 0 : i32
    %c0_i32_0 = arith.constant 0 : i32
    return %arg0, %c0_i32 : i32, i32
  }
}

</mosaic_0001>

<sc_bundles>
// kernel: kernel.10.cloned.1.call-start
scs
__scs_entry_jumppad:
0x0: {  	(pc) =	sbr.rel $0x88, $3  }
0x1: {  	(tag) =	ssettag $0x0;
	lr =	simm.s32 $0x1  }
0x2: {  	[smem:$0x3F98] =	sst lr;
	_ =	strace $0xD0000000  }
0x3: {  	_ = 	snop  }
0x4: {  	_ = 	snop  }
0x5: {  	_ = 	snop  }
0x6: {  	_ = 	snop  }
0x7: {  	_ = 	snop  }
__scs_overlays_trampoline_lowered:
0x8: {  	[smem:$0x3FA7] =	sst s0  }
0x9: {  	[smem:$0x3FA8] =	sst s1  }
0xa: {  	[smem:$0x3FA9] =	sst s2  }
0xb: {  	[smem:$0x3FAA] =	sst s3  }
0xc: {  	[smem:$0x3FAB] =	sst s4  }
0xd: {  	[smem:$0x3FAC] =	sst s5  }
0xe: {  	[smem:$0x3FAD] =	sst s6  }
0xf: {  	[smem:$0x3FAE] =	sst s7  }
0x10: {  	[smem:$0x3FAF] =	sst s8  }
0x11: {  	[smem:$0x3FB0] =	sst s9;
	s0 =	simm.s32 @!p0 $0x0  }
0x12: {  	s1 =	sld [smem:$0x3F96];
	s0 =	simm.s32 @p0 $0x1  }
0x13: {  	[smem:$0x3FB1] =	sst s0;
	s0 =	simm.s32 @!p1 $0x0  }
0x14: {  	s2 =	sld [smem:$0x3F95];
	s0 =	simm.s32 @p1 $0x1  }
0x15: {  	[smem:$0x3FB2] =	sst s0;
	s0 =	simm.s32 @!p2 $0x0  }
0x16: {  	s3 =	sld [smem:$0x3FDB];
	s0 =	simm.s32 @p2 $0x1  }
0x17: {  	s4 =	simm.s32 $0x1BF5;
	[smem:$0x3FB4] =	sst s0  }
0x18: {  	s0 =	sld [smem:$0x3F97];
	_ =	swait.ge [sflag:s4], $0x0  }
0x19: {  	s7 =	sld [smem:$0x3F98]  }
0x1a: {  	s8 =	sadd.s32 $0xFFFFE003, lr  }
0x1b: {  	s9 =	sadd.s32 $0xFFFFFEF7, lr;
	s5 =	simm.s32 $0xFFFFFFFF;
	p2 =	slt.u32 s8, $0xFFFFF086  }
0x1c: {  	p1 =	slt.u32 s9, $0xF7A;
	s5 =	simm.s32 @!p2 $0x0  }
0x1d: {  	s5 =	simm.s32 @p1 $0x1;
	p0 =	seq.s32 s7, s2  }
0x1e: {  	s7 =	smul.u32 @!p0 $0xF7A, s2;
	p2 =	seq.s32 @!p0 s5, $0x0  }
0x1f: {  	s9 =	smul.u32 $0xF7A, s1;
	s8 =	simm.s32 @!p0 $0x1BF5;
	p2 =	por !p2, p0  }
0x20: {  	[sflag:s8] =	ssyncset.s32 @!p0 $0xFFFFF086;
	s6 =	sadd.s32 @!p0 s3, s7;
	s7 =	simm.s32 @!p0 $0x108  }
0x21: {  	s3 =	sadd.s32 s3, s9;
	s6 =	sadd.s32 @!p0 $0x88, s6;
	s7 =	simm.s32 @p2 $0x1082  }
0x22: {  	[simem:s7], [sflag:s8] =	dma.local @!p0 [hbm:s6], $0xF7A  }
0x23: {  	s9 =	sor.u32 $0xD0000000, s2;
	s6 =	simm.s32 $0x108;
	_ =	swait.ge @!p0 [sflag:s8], $0x0  }
0x24: {  	s3 =	sadd.s32 $0x88, s3;
	s6 =	simm.s32 @!p1 $0x1082;
	[sflag:s4] =	ssyncset.s32 $0xFFFFF086  }
0x25: {  	[simem:s6], [sflag:s4] =	dma.local [hbm:s3], $0xF7A  }
0x26: {  	[smem:$0x3F98] =	sst s1;
	(tag) =	ssettag s2;
	_ =	strace s9  }
0x27: {  	s1 =	sld [smem:$0x3FA8]  }
0x28: {  	s2 =	sld [smem:$0x3FA9]  }
0x29: {  	s4 =	sld [smem:$0x3FAB]  }
0x2a: {  	p0 =	seq.s32 s5, $0x0;
	s5 =	sld [smem:$0x3FAC]  }
0x2b: {  	s6 =	sld [smem:$0x3FAD]  }
0x2c: {  	s7 =	sld [smem:$0x3FAE]  }
0x2d: {  	s3 =	simm.s32 $0x108;
	s8 =	sld [smem:$0x3FAF]  }
0x2e: {  	s3 =	simm.s32 @!p0 $0x1082;
	s9 =	sld [smem:$0x3FB0]  }
0x2f: {  	lr =	sadd.s32 s0, s3;
	s0 =	sld [smem:$0x3FA7]  }
0x30: {  	s3 =	sld [smem:$0x3FAA]  }
0x31: {  	[smem:$0x3FB3] =	sst s10  }
0x32: {  	s10 =	sld [smem:$0x3FB1];
	_ =	sdelay $0x3  }
0x33: {  	p0 =	seq.s32 s10, $0x1;
	s10 =	sld [smem:$0x3FB3];
	_ =	sdelay $0x3  }
0x34: {  	[smem:$0x3FB3] =	sst s10  }
0x35: {  	s10 =	sld [smem:$0x3FB2];
	_ =	sdelay $0x3  }
0x36: {  	p1 =	seq.s32 s10, $0x1;
	s10 =	sld [smem:$0x3FB3];
	_ =	sdelay $0x3  }
0x37: {  	[smem:$0x3FB3] =	sst s10  }
0x38: {  	s10 =	sld [smem:$0x3FB4]  }
0x39: {  	_ = 	snop;
	(pc) =	sbr.ind lr, $3  }
0x3a: {  	_ = 	snop  }
0x3b: {  	_ = 	snop  }
0x3c: {  	p2 =	seq.s32 s10, $0x1;
	s10 =	sld [smem:$0x3FB3]  }
0x3d: {  	_ =	shalt  }
0x3e: {  	_ =	shalt  }
0x3f: {  	_ =	shalt  }
0x40: {  	_ =	shalt  }
0x41: {  	_ =	shalt  }
0x42: {  	_ =	shalt  }
0x43: {  	_ =	shalt  }
0x44: {  	_ =	shalt  }
0x45: {  	_ =	shalt  }
0x46: {  	_ =	shalt  }
0x47: {  	_ =	shalt  }
0x48: {  	_ =	shalt  }
0x49: {  	_ =	shalt  }
0x4a: {  	_ =	shalt  }
0x4b: {  	_ =	shalt  }
0x4c: {  	_ =	shalt  }
0x4d: {  	_ =	shalt  }
0x4e: {  	_ =	shalt  }
0x4f: {  	_ =	shalt  }
0x50: {  	_ =	shalt  }
0x51: {  	_ =	shalt  }
0x52: {  	_ =	shalt  }
0x53: {  	_ =	shalt  }
0x54: {  	_ =	shalt  }
0x55: {  	_ =	shalt  }
0x56: {  	_ =	shalt  }
0x57: {  	_ =	shalt  }
0x58: {  	_ =	shalt  }
0x59: {  	_ =	shalt  }
0x5a: {  	_ =	shalt  }
0x5b: {  	_ =	shalt  }
0x5c: {  	_ =	shalt  }
0x5d: {  	_ =	shalt  }
0x5e: {  	_ =	shalt  }
0x5f: {  	_ =	shalt  }
0x60: {  	_ =	shalt  }
0x61: {  	_ =	shalt  }
0x62: {  	_ =	shalt  }
0x63: {  	_ =	shalt  }
0x64: {  	_ =	shalt  }
0x65: {  	_ =	shalt  }
0x66: {  	_ =	shalt  }
0x67: {  	_ =	shalt  }
0x68: {  	_ =	shalt  }
0x69: {  	_ =	shalt  }
0x6a: {  	_ =	shalt  }
0x6b: {  	_ =	shalt  }
0x6c: {  	_ =	shalt  }
0x6d: {  	_ =	shalt  }
0x6e: {  	_ =	shalt  }
0x6f: {  	_ =	shalt  }
0x70: {  	_ =	shalt  }
0x71: {  	_ =	shalt  }
0x72: {  	_ =	shalt  }
0x73: {  	_ =	shalt  }
0x74: {  	_ =	shalt  }
0x75: {  	_ =	shalt  }
0x76: {  	_ =	shalt  }
0x77: {  	_ =	shalt  }
0x78: {  	_ =	shalt  }
0x79: {  	_ =	shalt  }
0x7a: {  	_ =	shalt  }
0x7b: {  	_ =	shalt  }
0x7c: {  	_ =	shalt  }
0x7d: {  	_ =	shalt  }
0x7e: {  	_ =	shalt  }
0x7f: {  	_ =	shalt  }
0x80: {  	_ =	shalt  }
0x81: {  	_ =	shalt  }
0x82: {  	_ =	shalt  }
0x83: {  	_ =	shalt  }
0x84: {  	_ =	shalt  }
0x85: {  	_ =	shalt  }
0x86: {  	_ =	shalt  }
0x87: {  	_ =	shalt  }
.Lfunc_end0:
.L_simem_size_0:
called_computation.1_lowered:
.L_overlay_start_0:
0x88: {  	s2 =	sld [smem:$0x3FD9]  }
0x89: {  	s3 =	sld [smem:$0x3FFE];
	_ =	sdelay $0x1  }
0x8a: {  	s1 =	srdreg.scid  }
0x8b: {  	s0 =	sand.u32 $0x1, s1  }
0x8c: {  	s17 =	sshll.u32 s0, $0xA;
	s2 =	sadd.s32 s3, s2  }
0x8d: {  	s2 =	sadd.s32 s2, s17  }
0x8e: {  	[smem:$0x3FBF] =	sst s2  }
0x8f: {  	_ = 	snop  }
0x90: {  	s2 =	sld [smem:$0x3FD0];
	(tm) =	ssettm $0x1  }
0x91: {  	s18 =	sld [smem:$0x3FFB];
	_ =	sdelay $0x3  }
0x92: {  	_ =	strace s18  }
0x93: {  	s3 =	sld [smem:$0x3FFC];
	_ =	sdelay $0x3  }
0x94: {  	_ =	strace s3  }
0x95: {  	s3 =	sld [smem:$0x3FFD];
	_ =	sdelay $0x3  }
0x96: {  	_ =	strace s3  }
0x97: {  	_ =	strace $0x8FFFFFFF  }
0x98: {  	s19 =	sld [smem:$0x3FDB];
	_ =	sdelay $0x1  }
0x99: {  	s4 =	simm.s32 $_scs_section_size  }
0x9a: {  	s5 =	simm.s32 $_size__tile_overlayer_lowered;
	s6 =	simm.s32 $_tile_overlayer_lowered  }
0x9b: {  	s22 =	simm.s32 $0x1BFF;
	s21 =	sshll.u32 s6, $0x1;
	s3 =	sadd.s32 s4, s19  }
0x9c: {  	s7 =	simm.s32 $0x0;
	s20 =	sshll.u32 s5, $0x1;
	s5 =	sadd.s32 s21, s3  }
0x9d: {  	[timem:s7], [sflag:s22] =	dma.local [hbm:s5], s20  }
0x9e: {  	_ =	swait.ge [sflag:s22], s20  }
0x9f: {  	s4 =	ssub.s32 $0x0, s20;
	[sflag:s22] =	ssyncset.done $0x0  }
0xa0: {  	[sflag:s22] =	ssyncadd.s32 s4;
	_ =	sdelay $0x1  }
0xa1: {  	s23 =	simm.s32 $0x1B8B  }
0xa2: {  	_ =	swait.ge [sflag:s23], $0x1  }
0xa3: {  	[sflag:s23] =	ssyncset.done $0x0  }
0xa4: {  	s25 =	simm.s32 $0x1B8E;
	s24 =	sld [smem:$0x3FFE];
	[sflag:s23] =	ssyncadd.s32 $0xFFFFFFFF  }
0xa5: {  	s26 =	simm.s32 $execute0_lowered;
	[smem:$0x3FD2] =	sst s25  }
0xa6: {  	s5 =	sshll.u32 s26, $0x1;
	_ =	strace $0x80000049;
	[dreg:$0x1] =	wrdreg $0xFFFFFFFF  }
0xa7: {  	s28 =	simm.s32 $_size_execute0_lowered;
	s3 =	sadd.s32 s3, s5;
	[dreg:$0x0] =	wrdreg $0x0  }
0xa8: {  	s5 =	sshll.u32 s28, $0x1;
	[dreg:$0x2] =	wrdreg s3  }
0xa9: {  	[dreg:$0x3] =	wrdreg s5  }
0xaa: {  	[dreg:$0x4] =	wrdreg $0xC0  }
0xab: {  	_ =	task [dreg:s7], $0x5FFFF  }
0xac: {  	[dreg:$0x1] =	wrdreg $0xFFFFFFFF  }
0xad: {  	[dreg:$0x0] =	wrdreg $0x60  }
0xae: {  	[dreg:$0x2] =	wrdreg s24  }
0xaf: {  	[dreg:$0x3] =	wrdreg s2  }
0xb0: {  	[dreg:$0x4] =	wrdreg $0x9  }
0xb1: {  	_ =	task.clear_ibuf [dreg:s7], $0x5FFFF;
	_ =	strace $0x90000049  }
0xb2: {  	s29 =	simm.s32 $0x9;
	_ =	strace $0x8000004B  }
0xb3: {  	_ =	swait.ge [sflag:s29], $0x1  }
0xb4: {  	[sflag:s29] =	ssyncadd.s32 $0xFFFFFFFF  }
0xb5: {  	_ =	strace $0x9000004B  }
0xb6: {  	_ =	sfence  }
0xb7: {  	s30 =	sld [smem:$0x0];
	_ =	sdelay $0x2  }
0xb8: {  	s31 =	sshll.u32 s1, $0xD;
	s1 =	sshrl.u32 s1, $0x2  }
0xb9: {  	s3 =	sand.u32 $0x4000, s31;
	s1 =	sadd.s32 s1, s30  }
0xba: {  	s0 =	sor.u32 s3, s0;
	s1 =	sshll.u32 s1, $0x11  }
0xbb: {  	s0 =	sor.u32 s1, s0  }
0xbc: {  	s0 =	sadd.s32 $0x8F2B, s0  }
0xbd: {  	[sflag:s0] =	ssyncadd.remote.s32 $0x1  }
0xbe: {  	_ =	sfence.sel $0xFFFF  }
0xbf: {  	[dreg:$0x0] =	wrdreg $0xFFFFFFFF;
	(pc) =	sbr.abs _section_cstart, $3  }
0xc0: {  	[dreg:$0x1] =	wrdreg $0xFFFFFFFF  }
0xc1: {  	_ =	task.clear_ibuf [dreg:s7], $0x2FFFF;
	_ =	strace $0x9FFFFFFF  }
0xc2: {  	(tm) =	ssettm $0x7FFFFFFF  }
0xc3: {  	_ =	shalt  }
tec
execute0_lowered:
.L_overlay_start_1:
0x0: {  	(tag) =	ssettag $0x1  }
0x1: {  	s0 =	rddreg [dreg:$0x0]  }
0x2: {  	s8 =	rddreg [dreg:$0x1];
	s3 =	srdreg.scid  }
0x3: {  	s2 =	simm.s32 $0x0;
	s1 =	stileid.u32;
	s14 =	simm.s32 $0x200  }
0x4: {  	s15 =	simm.s32 $0xA00;
	s16 =	simm.s32 $0x1200;
	s17 =	simm.s32 $0x1A00  }
0x5: {  	s28 =	simm.s32 $0x6A00;
	s29 =	simm.s32 $0x7200;
	s30 =	simm.s32 $0x7A00  }
0x6: {  	s31 =	simm.s32 $0x1;
	s4 =	sand.u32 $0x1, s3;
	[smem:$0x7FF] =	sst s2  }
0x7: {  	s5 =	sshll.u32 s1, $0x8;
	s3 =	sadd.s32 $0x20400, s0;
	s6 =	sshll.u32 s4, $0x7  }
0x8: {  	s18 =	sadd.s32 $0x80600, s0;
	s4 =	ssub.s32 $0x2, s4;
	s5 =	sor.u32 s6, s5  }
0x9: {  	_ =	strace $0x8000004A;
	s9 =	sshrl.u32 s4, $0x1;
	s7 =	sshrl.u32 s5, $0x3  }
0xa: {  	s10 =	sor.u32 $0x20, s5;
	s11 =	sor.u32 $0x40, s5;
	s13 =	sor.u32 $0x60, s5  }
0xb: {  	s9 =	ssub.s32 s4, s9;
	s4 =	sadd.s32 $0x20500, s0;
	s23 =	sshll.u32 s5, $0x6  }
0xc: {  	s0 =	simm.s32 $0x2;
	s7 =	sadd.s32 s18, s7;
	s19 =	sshrl.u32 s10, $0x3  }
0xd: {  	s12 =	sshrl.u32 s11, $0x3;
	s21 =	sshrl.u32 s13, $0x3;
	s5 =	sadd.s32 s8, s23  }
0xe: {  	s24 =	sshll.u32 s10, $0x6;
	s25 =	sshll.u32 s11, $0x6;
	s26 =	sshll.u32 s13, $0x6  }
0xf: {  	s9 =	smax.u32 s9, $0x1;
	s10 =	simm.s32 $0x3;
	s11 =	simm.s32 $0x80  }
0x10: {  	s13 =	simm.s32 $0x180;
	s23 =	simm.s32 $0x4A00;
	[dreg:$0x3] =	wrdreg s7  }
0x11: {  	s7 =	sadd.s32 s18, s19;
	s20 =	sadd.s32 s18, s12;
	s22 =	sadd.s32 s18, s21  }
0x12: {  	s6 =	sadd.s32 s8, s24;
	s12 =	simm.s32 $0x100;
	[dreg:$0x4] =	wrdreg s7  }
0x13: {  	s18 =	simm.s32 $0x2200;
	s19 =	simm.s32 $0x2A00;
	[dreg:$0x5] =	wrdreg s20  }
0x14: {  	v2 =	vlaneseq.u32;
	s21 =	simm.s32 $0x3A00;
	s24 =	simm.s32 $0x5200;
	[dreg:$0x6] =	wrdreg s22  }
0x15: {  	vm0 =	vmmov $0xffff;
	v1 =	vshrl.u32 v2, $0x3;
	s7 =	sadd.s32 s8, s25;
	s8 =	sadd.s32 s8, s26;
	s20 =	simm.s32 $0x3200  }
0x16: {  	v0 =	vand.u32 $0x7, v2;
	v2 =	vor.u32 $0x8, v2;
	v1 =	vmul.u32 $0x8, v1;
	s22 =	simm.s32 $0x4200;
	s25 =	simm.s32 $0x5A00;
	s26 =	simm.s32 $0x6200  }
.LBB2_1:
0x17: {  	s1 =	rddreg [dreg:$0x3]  }
0x18: {  	[tilespmem:s2], [sflag:$0x3] =	stream.linear.gather [hbm4b:s1+s2], $0x20, $0x38;
	[tilespmem:$0x8200] =	vst v63  }
0x19: {  	_ =	swait.ge [sflag:s10], $0x20  }
0x1a: {  	[sflag:s10] =	ssyncset.done $0x0  }
0x1b: {  	s1 =	rddreg [dreg:$0x4];
	[sflag:s10] =	ssyncadd.s32 $0xFFFFFFE0  }
0x1c: {  	[tilespmem:s11], [sflag:$0x3] =	stream.linear.gather [hbm4b:s1+s2], $0x20, $0x38;
	[tilespmem:$0x8200] =	vst v63  }
0x1d: {  	_ =	swait.ge [sflag:s10], $0x20  }
0x1e: {  	[sflag:s10] =	ssyncset.done $0x0  }
0x1f: {  	s1 =	rddreg [dreg:$0x5];
	[sflag:s10] =	ssyncadd.s32 $0xFFFFFFE0  }
0x20: {  	[tilespmem:s12], [sflag:$0x3] =	stream.linear.gather [hbm4b:s1+s2], $0x20, $0x38;
	[tilespmem:$0x8200] =	vst v63  }
0x21: {  	_ =	swait.ge [sflag:s10], $0x20  }
0x22: {  	[sflag:s10] =	ssyncset.done $0x0  }
0x23: {  	s1 =	rddreg [dreg:$0x6];
	[sflag:s10] =	ssyncadd.s32 $0xFFFFFFE0  }
0x24: {  	[tilespmem:s13], [sflag:$0x3] =	stream.linear.gather [hbm4b:s1+s2], $0x20, $0x38;
	[tilespmem:$0x8200] =	vst v63  }
0x25: {  	_ =	swait.ge [sflag:s10], $0x20  }
0x26: {  	[sflag:s10] =	ssyncset.done $0x0  }
0x27: {  	[sflag:s10] =	ssyncadd.s32 $0xFFFFFFE0  }
0x28: {  	v3 =	vld [tilespmem:$0x0];
	_ =	sdelay $0x4  }
0x29: {  	v4 =	vshll.u32 v3, $0x2  }
0x2a: {  	v3 =	vand.u32 $0x7, v3;
	v4 =	vand.u32 $0xFFFFFFE0, v4  }
0x2b: {  	v3 =	vor.u32 v3, v4  }
0x2c: {  	v4 =	vperm.xlane v3, v0;
	_ =	sdelay $0x1  }
0x2d: {  	v4 =	vadd.s32 v1, v4;
	_ =	sdelay $0x1  }
0x2e: {  	v3 =	vperm.xlane v3, v2;
	_ =	sdelay $0x1  }
0x2f: {  	v3 =	vadd.s32 v1, v3  }
0x30: {  	[tilespmem:s14], [sflag:$0x1] =	stream.indirect_vreg.gather [hbm4b:s3+s2], $0x80, v4, vm0, $0xb8;
	[tilespmem:$0x8200] =	vst v63  }
0x31: {  	_ = 	snop  }
0x32: {  	[tilespmem:s15], [sflag:$0x1] =	stream.indirect_vreg.gather [hbm4b:s4+s2], $0x80, v4, vm0, $0xb8;
	[tilespmem:$0x8200] =	vst v63  }
0x33: {  	_ = 	snop  }
0x34: {  	[tilespmem:s16], [sflag:$0x1] =	stream.indirect_vreg.gather [hbm4b:s3+s2], $0x80, v3, vm0, $0xb8;
	[tilespmem:$0x8200] =	vst v63  }
0x35: {  	_ = 	snop  }
0x36: {  	[tilespmem:s17], [sflag:$0x1] =	stream.indirect_vreg.gather [hbm4b:s4+s2], $0x80, v3, vm0, $0xb8;
	[tilespmem:$0x8200] =	vst v63  }
0x37: {  	v3 =	vld [tilespmem:$0x10];
	_ =	sdelay $0x4  }
0x38: {  	v57 =	vshll.u32 v3, $0x2  }
0x39: {  	v3 =	vand.u32 $0x7, v3;
	v4 =	vand.u32 $0xFFFFFFE0, v57  }
0x3a: {  	v3 =	vor.u32 v3, v4  }
0x3b: {  	v4 =	vperm.xlane v3, v0;
	_ =	sdelay $0x1  }
0x3c: {  	v4 =	vadd.s32 v1, v4;
	_ =	sdelay $0x1  }
0x3d: {  	v3 =	vperm.xlane v3, v2;
	_ =	sdelay $0x1  }
0x3e: {  	v3 =	vadd.s32 v1, v3  }
0x3f: {  	[tilespmem:s18], [sflag:$0x1] =	stream.indirect_vreg.gather [hbm4b:s3+s2], $0x80, v4, vm0, $0xb8;
	[tilespmem:$0x8200] =	vst v63  }
0x40: {  	_ = 	snop  }
0x41: {  	[tilespmem:s19], [sflag:$0x1] =	stream.indirect_vreg.gather [hbm4b:s4+s2], $0x80, v4, vm0, $0xb8;
	[tilespmem:$0x8200] =	vst v63  }
0x42: {  	_ = 	snop  }
0x43: {  	[tilespmem:s20], [sflag:$0x1] =	stream.indirect_vreg.gather [hbm4b:s3+s2], $0x80, v3, vm0, $0xb8;
	[tilespmem:$0x8200] =	vst v63  }
0x44: {  	_ = 	snop  }
0x45: {  	[tilespmem:s21], [sflag:$0x1] =	stream.indirect_vreg.gather [hbm4b:s4+s2], $0x80, v3, vm0, $0xb8;
	[tilespmem:$0x8200] =	vst v63  }
0x46: {  	v3 =	vld [tilespmem:$0x80];
	_ =	sdelay $0x4  }
0x47: {  	v58 =	vshll.u32 v3, $0x2  }
0x48: {  	v3 =	vand.u32 $0x7, v3;
	v4 =	vand.u32 $0xFFFFFFE0, v58  }
0x49: {  	v3 =	vor.u32 v3, v4  }
0x4a: {  	v4 =	vperm.xlane v3, v0;
	_ =	sdelay $0x1  }
0x4b: {  	v4 =	vadd.s32 v1, v4;
	_ =	sdelay $0x1  }
0x4c: {  	v3 =	vperm.xlane v3, v2;
	_ =	sdelay $0x1  }
0x4d: {  	v3 =	vadd.s32 v1, v3  }
0x4e: {  	[tilespmem:s22], [sflag:$0x2] =	stream.indirect_vreg.gather [hbm4b:s3+s2], $0x80, v4, vm0, $0xb8;
	[tilespmem:$0x8200] =	vst v63  }
0x4f: {  	_ = 	snop  }
0x50: {  	[tilespmem:s23], [sflag:$0x2] =	stream.indirect_vreg.gather [hbm4b:s4+s2], $0x80, v4, vm0, $0xb8;
	[tilespmem:$0x8200] =	vst v63  }
0x51: {  	_ = 	snop  }
0x52: {  	[tilespmem:s24], [sflag:$0x2] =	stream.indirect_vreg.gather [hbm4b:s3+s2], $0x80, v3, vm0, $0xb8;
	[tilespmem:$0x8200] =	vst v63  }
0x53: {  	_ = 	snop  }
0x54: {  	[tilespmem:s25], [sflag:$0x2] =	stream.indirect_vreg.gather [hbm4b:s4+s2], $0x80, v3, vm0, $0xb8;
	[tilespmem:$0x8200] =	vst v63  }
0x55: {  	v3 =	vld [tilespmem:$0x90];
	_ =	sdelay $0x4  }
0x56: {  	v59 =	vshll.u32 v3, $0x2  }
0x57: {  	v3 =	vand.u32 $0x7, v3;
	v4 =	vand.u32 $0xFFFFFFE0, v59  }
0x58: {  	v3 =	vor.u32 v3, v4  }
0x59: {  	v4 =	vperm.xlane v3, v0;
	_ =	sdelay $0x1  }
0x5a: {  	v4 =	vadd.s32 v1, v4;
	_ =	sdelay $0x1  }
0x5b: {  	v3 =	vperm.xlane v3, v2;
	_ =	sdelay $0x1  }
0x5c: {  	v3 =	vadd.s32 v1, v3  }
0x5d: {  	[tilespmem:s26], [sflag:$0x2] =	stream.indirect_vreg.gather [hbm4b:s3+s2], $0x80, v4, vm0, $0xb8;
	[tilespmem:$0x8200] =	vst v63  }
0x5e: {  	_ = 	snop  }
0x5f: {  	[tilespmem:s28], [sflag:$0x2] =	stream.indirect_vreg.gather [hbm4b:s4+s2], $0x80, v4, vm0, $0xb8;
	[tilespmem:$0x8200] =	vst v63  }
0x60: {  	_ = 	snop  }
0x61: {  	[tilespmem:s29], [sflag:$0x2] =	stream.indirect_vreg.gather [hbm4b:s3+s2], $0x80, v3, vm0, $0xb8;
	[tilespmem:$0x8200] =	vst v63  }
0x62: {  	_ = 	snop  }
0x63: {  	[tilespmem:s30], [sflag:$0x2] =	stream.indirect_vreg.gather [hbm4b:s4+s2], $0x80, v3, vm0, $0xb8;
	[tilespmem:$0x8200] =	vst v63  }
0x64: {  	_ =	swait.ge [sflag:s31], $0x4000  }
0x65: {  	[sflag:s31] =	ssyncset.done $0x0  }
0x66: {  	[sflag:s31] =	ssyncadd.s32 $0xFFFFC000  }
0x67: {  	[hbm4b:s5+s2] =	stream.linear.scatter [tilespmem:s14], [sflag:$0x3], $0x4000, $0x38;
	[tilespmem:$0x8200] =	vst v63  }
0x68: {  	_ =	swait.ge [sflag:s10], $0x4000  }
0x69: {  	[sflag:s10] =	ssyncset.done $0x0  }
0x6a: {  	[sflag:s10] =	ssyncadd.s32 $0xFFFFC000  }
0x6b: {  	v3 =	vld [tilespmem:$0x100];
	_ =	sdelay $0x4  }
0x6c: {  	v60 =	vshll.u32 v3, $0x2  }
0x6d: {  	v3 =	vand.u32 $0x7, v3;
	v4 =	vand.u32 $0xFFFFFFE0, v60  }
0x6e: {  	v3 =	vor.u32 v3, v4  }
0x6f: {  	v4 =	vperm.xlane v3, v0;
	_ =	sdelay $0x1  }
0x70: {  	v4 =	vadd.s32 v1, v4;
	_ =	sdelay $0x1  }
0x71: {  	v3 =	vperm.xlane v3, v2;
	_ =	sdelay $0x1  }
0x72: {  	v3 =	vadd.s32 v1, v3  }
0x73: {  	[tilespmem:s14], [sflag:$0x1] =	stream.indirect_vreg.gather [hbm4b:s3+s2], $0x80, v4, vm0, $0xb8;
	[tilespmem:$0x8200] =	vst v63  }
0x74: {  	_ = 	snop  }
0x75: {  	[tilespmem:s15], [sflag:$0x1] =	stream.indirect_vreg.gather [hbm4b:s4+s2], $0x80, v4, vm0, $0xb8;
	[tilespmem:$0x8200] =	vst v63  }
0x76: {  	_ = 	snop  }
0x77: {  	[tilespmem:s16], [sflag:$0x1] =	stream.indirect_vreg.gather [hbm4b:s3+s2], $0x80, v3, vm0, $0xb8;
	[tilespmem:$0x8200] =	vst v63  }
0x78: {  	_ = 	snop  }
0x79: {  	[tilespmem:s17], [sflag:$0x1] =	stream.indirect_vreg.gather [hbm4b:s4+s2], $0x80, v3, vm0, $0xb8;
	[tilespmem:$0x8200] =	vst v63  }
0x7a: {  	v3 =	vld [tilespmem:$0x110];
	_ =	sdelay $0x4  }
0x7b: {  	v61 =	vshll.u32 v3, $0x2  }
0x7c: {  	v3 =	vand.u32 $0x7, v3;
	v4 =	vand.u32 $0xFFFFFFE0, v61  }
0x7d: {  	v3 =	vor.u32 v3, v4  }
0x7e: {  	v4 =	vperm.xlane v3, v0;
	_ =	sdelay $0x1  }
0x7f: {  	v4 =	vadd.s32 v1, v4;
	_ =	sdelay $0x1  }
0x80: {  	v3 =	vperm.xlane v3, v2;
	_ =	sdelay $0x1  }
0x81: {  	v3 =	vadd.s32 v1, v3  }
0x82: {  	[tilespmem:s18], [sflag:$0x1] =	stream.indirect_vreg.gather [hbm4b:s3+s2], $0x80, v4, vm0, $0xb8;
	[tilespmem:$0x8200] =	vst v63  }
0x83: {  	_ = 	snop  }
0x84: {  	[tilespmem:s19], [sflag:$0x1] =	stream.indirect_vreg.gather [hbm4b:s4+s2], $0x80, v4, vm0, $0xb8;
	[tilespmem:$0x8200] =	vst v63  }
0x85: {  	_ = 	snop  }
0x86: {  	[tilespmem:s20], [sflag:$0x1] =	stream.indirect_vreg.gather [hbm4b:s3+s2], $0x80, v3, vm0, $0xb8;
	[tilespmem:$0x8200] =	vst v63  }
0x87: {  	_ = 	snop  }
0x88: {  	[tilespmem:s21], [sflag:$0x1] =	stream.indirect_vreg.gather [hbm4b:s4+s2], $0x80, v3, vm0, $0xb8;
	[tilespmem:$0x8200] =	vst v63  }
0x89: {  	_ =	swait.ge [sflag:s0], $0x4000  }
0x8a: {  	[sflag:s0] =	ssyncset.done $0x0  }
0x8b: {  	[sflag:s0] =	ssyncadd.s32 $0xFFFFC000  }
0x8c: {  	[hbm4b:s6+s2] =	stream.linear.scatter [tilespmem:s22], [sflag:$0x3], $0x4000, $0x38;
	[tilespmem:$0x8200] =	vst v63  }
0x8d: {  	_ =	swait.ge [sflag:s10], $0x4000  }
0x8e: {  	[sflag:s10] =	ssyncset.done $0x0  }
0x8f: {  	[sflag:s10] =	ssyncadd.s32 $0xFFFFC000  }
0x90: {  	v3 =	vld [tilespmem:$0x180];
	_ =	sdelay $0x4  }
0x91: {  	v62 =	vshll.u32 v3, $0x2  }
0x92: {  	v3 =	vand.u32 $0x7, v3;
	v4 =	vand.u32 $0xFFFFFFE0, v62  }
0x93: {  	v3 =	vor.u32 v3, v4  }
0x94: {  	v4 =	vperm.xlane v3, v0;
	_ =	sdelay $0x1  }
0x95: {  	v4 =	vadd.s32 v1, v4;
	_ =	sdelay $0x1  }
0x96: {  	v3 =	vperm.xlane v3, v2;
	_ =	sdelay $0x1  }
0x97: {  	v3 =	vadd.s32 v1, v3  }
0x98: {  	[tilespmem:s22], [sflag:$0x2] =	stream.indirect_vreg.gather [hbm4b:s3+s2], $0x80, v4, vm0, $0xb8;
	[tilespmem:$0x8200] =	vst v63  }
0x99: {  	_ = 	snop  }
0x9a: {  	[tilespmem:s23], [sflag:$0x2] =	stream.indirect_vreg.gather [hbm4b:s4+s2], $0x80, v4, vm0, $0xb8;
	[tilespmem:$0x8200] =	vst v63  }
0x9b: {  	_ = 	snop  }
0x9c: {  	[tilespmem:s24], [sflag:$0x2] =	stream.indirect_vreg.gather [hbm4b:s3+s2], $0x80, v3, vm0, $0xb8;
	[tilespmem:$0x8200] =	vst v63  }
0x9d: {  	_ = 	snop  }
0x9e: {  	[tilespmem:s25], [sflag:$0x2] =	stream.indirect_vreg.gather [hbm4b:s4+s2], $0x80, v3, vm0, $0xb8;
	[tilespmem:$0x8200] =	vst v63  }
0x9f: {  	v3 =	vld [tilespmem:$0x190];
	_ =	sdelay $0x4  }
0xa0: {  	v63 =	vshll.u32 v3, $0x2  }
0xa1: {  	v3 =	vand.u32 $0x7, v3;
	v4 =	vand.u32 $0xFFFFFFE0, v63  }
0xa2: {  	v3 =	vor.u32 v3, v4  }
0xa3: {  	v4 =	vperm.xlane v3, v0;
	_ =	sdelay $0x1  }
0xa4: {  	v4 =	vadd.s32 v1, v4;
	_ =	sdelay $0x1  }
0xa5: {  	v3 =	vperm.xlane v3, v2;
	_ =	sdelay $0x1  }
0xa6: {  	v3 =	vadd.s32 v1, v3  }
0xa7: {  	[tilespmem:s26], [sflag:$0x2] =	stream.indirect_vreg.gather [hbm4b:s3+s2], $0x80, v4, vm0, $0xb8;
	[tilespmem:$0x8200] =	vst v63  }
0xa8: {  	_ = 	snop  }
0xa9: {  	[tilespmem:s28], [sflag:$0x2] =	stream.indirect_vreg.gather [hbm4b:s4+s2], $0x80, v4, vm0, $0xb8;
	[tilespmem:$0x8200] =	vst v63  }
0xaa: {  	_ = 	snop  }
0xab: {  	[tilespmem:s29], [sflag:$0x2] =	stream.indirect_vreg.gather [hbm4b:s3+s2], $0x80, v3, vm0, $0xb8;
	[tilespmem:$0x8200] =	vst v63  }
0xac: {  	_ = 	snop  }
0xad: {  	[tilespmem:s30], [sflag:$0x2] =	stream.indirect_vreg.gather [hbm4b:s4+s2], $0x80, v3, vm0, $0xb8;
	[tilespmem:$0x8200] =	vst v63  }
0xae: {  	_ =	swait.ge [sflag:s31], $0x4000  }
0xaf: {  	[sflag:s31] =	ssyncset.done $0x0  }
0xb0: {  	[sflag:s31] =	ssyncadd.s32 $0xFFFFC000  }
0xb1: {  	[hbm4b:s7+s2] =	stream.linear.scatter [tilespmem:s14], [sflag:$0x3], $0x4000, $0x38;
	[tilespmem:$0x8200] =	vst v63  }
0xb2: {  	_ =	swait.ge [sflag:s10], $0x4000  }
0xb3: {  	[sflag:s10] =	ssyncset.done $0x0  }
0xb4: {  	[sflag:s10] =	ssyncadd.s32 $0xFFFFC000  }
0xb5: {  	_ =	swait.ge [sflag:s0], $0x4000  }
0xb6: {  	p0 =	sne.s32 s9, $0x1;
	[sflag:s0] =	ssyncset.done $0x0  }
.Ltmp0:
0xb7: {  	[sflag:s0] =	ssyncadd.s32 $0xFFFFC000;
	(pc) =	sbr.rel @p0 .LBB2_1-.Ltmp0, $4  }
0xb8: {  	[hbm4b:s8+s2] =	stream.linear.scatter [tilespmem:s22], [sflag:$0x3], $0x4000, $0x38;
	[tilespmem:$0x8200] =	vst v63  }
0xb9: {  	_ =	swait.ge [sflag:s10], $0x4000  }
0xba: {  	[sflag:s10] =	ssyncset.done $0x0  }
0xbb: {  	s9 =	sadd.s32 $0xFFFFFFFF, s9;
	[sflag:s10] =	ssyncadd.s32 $0xFFFFC000  }
0xbc: {  	_ =	sfence.sel $0x180000  }
0xbd: {  	[bflag:$0x0] =	sbarrier.arrive $0xFFFF  }
0xbe: {  	_ =	strace $0x9000004A  }
0xbf: {  	s0 =	stileid.u32;
	[bflag:$0x2] =	sbarrier.arrive $0xFFFF  }
0xc0: {  	p0 =	sne.s32 s0, $0x0;
	s0 =	rddreg [dreg:$0x2]  }
0xc1: {  	s0 =	sadd.s32 @!p0 $0x100000, s0  }
0xc2: {  	[sflag:s0] =	ssyncadd.tile.s32 @!p0 $0x1;
	_ =	shalt  }
.Lfunc_end2:
_tile_overlayer_lowered:
.L_overlay_start_2:
0xc3: {  	(tag) =	ssettag $0x2  }
0xc4: {  	s0 =	rddreg [dreg:$0x0];
	s2 =	stileid.u32  }
0xc5: {  	s1 =	rddreg [dreg:$0x1];
	p0 =	sne.s32 s2, $0x0  }
0xc6: {  	s3 =	rddreg [dreg:$0x2];
	[bflag:$0x3] =	sbarrier.arrive $0xFFFF;
	s2 =	simm.s32 @!p0 $0x1C03  }
0xc7: {  	[timem:s3], [sflag:s2] =	dma.local @!p0 [hbm:s0], s1  }
0xc8: {  	s0 =	simm.s32 @!p0 $0x3  }
0xc9: {  	_ =	swait.ge @!p0 [sflag:s0], s1  }
0xca: {  	s1 =	ssub.s32 @!p0 $0x0, s1;
	[sflag:s0] =	ssyncset.done @!p0 $0x0  }
0xcb: {  	[sflag:s0] =	ssyncadd.s32 @!p0 s1  }
0xcc: {  	[bflag:$0x3] =	sbarrier.arrive $0xFFFF  }
0xcd: {  	_ =	shalt  }

// kernel: kernel.7.cloned.1.call-start
scs
__scs_entry_jumppad:
0x0: {  	(pc) =	sbr.rel $0x88, $3  }
0x1: {  	(tag) =	ssettag $0x0;
	lr =	simm.s32 $0x1  }
0x2: {  	[smem:$0x3F98] =	sst lr;
	_ =	strace $0xD0000000  }
0x3: {  	_ = 	snop  }
0x4: {  	_ = 	snop  }
0x5: {  	_ = 	snop  }
0x6: {  	_ = 	snop  }
0x7: {  	_ = 	snop  }
__scs_overlays_trampoline_lowered:
0x8: {  	[smem:$0x3FA7] =	sst s0  }
0x9: {  	[smem:$0x3FA8] =	sst s1  }
0xa: {  	[smem:$0x3FA9] =	sst s2  }
0xb: {  	[smem:$0x3FAA] =	sst s3  }
0xc: {  	[smem:$0x3FAB] =	sst s4  }
0xd: {  	[smem:$0x3FAC] =	sst s5  }
0xe: {  	[smem:$0x3FAD] =	sst s6  }
0xf: {  	[smem:$0x3FAE] =	sst s7  }
0x10: {  	[smem:$0x3FAF] =	sst s8  }
0x11: {  	[smem:$0x3FB0] =	sst s9;
	s0 =	simm.s32 @!p0 $0x0  }
0x12: {  	s1 =	sld [smem:$0x3F96];
	s0 =	simm.s32 @p0 $0x1  }
0x13: {  	[smem:$0x3FB1] =	sst s0;
	s0 =	simm.s32 @!p1 $0x0  }
0x14: {  	s2 =	sld [smem:$0x3F95];
	s0 =	simm.s32 @p1 $0x1  }
0x15: {  	[smem:$0x3FB2] =	sst s0;
	s0 =	simm.s32 @!p2 $0x0  }
0x16: {  	s3 =	sld [smem:$0x3FDB];
	s0 =	simm.s32 @p2 $0x1  }
0x17: {  	s4 =	simm.s32 $0x1BF5;
	[smem:$0x3FB4] =	sst s0  }
0x18: {  	s0 =	sld [smem:$0x3F97];
	_ =	swait.ge [sflag:s4], $0x0  }
0x19: {  	s7 =	sld [smem:$0x3F98]  }
0x1a: {  	s8 =	sadd.s32 $0xFFFFE003, lr  }
0x1b: {  	s9 =	sadd.s32 $0xFFFFFEF7, lr;
	s5 =	simm.s32 $0xFFFFFFFF;
	p2 =	slt.u32 s8, $0xFFFFF086  }
0x1c: {  	p1 =	slt.u32 s9, $0xF7A;
	s5 =	simm.s32 @!p2 $0x0  }
0x1d: {  	s5 =	simm.s32 @p1 $0x1;
	p0 =	seq.s32 s7, s2  }
0x1e: {  	s7 =	smul.u32 @!p0 $0xF7A, s2;
	p2 =	seq.s32 @!p0 s5, $0x0  }
0x1f: {  	s9 =	smul.u32 $0xF7A, s1;
	s8 =	simm.s32 @!p0 $0x1BF5;
	p2 =	por !p2, p0  }
0x20: {  	[sflag:s8] =	ssyncset.s32 @!p0 $0xFFFFF086;
	s6 =	sadd.s32 @!p0 s3, s7;
	s7 =	simm.s32 @!p0 $0x108  }
0x21: {  	s3 =	sadd.s32 s3, s9;
	s6 =	sadd.s32 @!p0 $0x88, s6;
	s7 =	simm.s32 @p2 $0x1082  }
0x22: {  	[simem:s7], [sflag:s8] =	dma.local @!p0 [hbm:s6], $0xF7A  }
0x23: {  	s9 =	sor.u32 $0xD0000000, s2;
	s6 =	simm.s32 $0x108;
	_ =	swait.ge @!p0 [sflag:s8], $0x0  }
0x24: {  	s3 =	sadd.s32 $0x88, s3;
	s6 =	simm.s32 @!p1 $0x1082;
	[sflag:s4] =	ssyncset.s32 $0xFFFFF086  }
0x25: {  	[simem:s6], [sflag:s4] =	dma.local [hbm:s3], $0xF7A  }
0x26: {  	[smem:$0x3F98] =	sst s1;
	(tag) =	ssettag s2;
	_ =	strace s9  }
0x27: {  	s1 =	sld [smem:$0x3FA8]  }
0x28: {  	s2 =	sld [smem:$0x3FA9]  }
0x29: {  	s4 =	sld [smem:$0x3FAB]  }
0x2a: {  	p0 =	seq.s32 s5, $0x0;
	s5 =	sld [smem:$0x3FAC]  }
0x2b: {  	s6 =	sld [smem:$0x3FAD]  }
0x2c: {  	s7 =	sld [smem:$0x3FAE]  }
0x2d: {  	s3 =	simm.s32 $0x108;
	s8 =	sld [smem:$0x3FAF]  }
0x2e: {  	s3 =	simm.s32 @!p0 $0x1082;
	s9 =	sld [smem:$0x3FB0]  }
0x2f: {  	lr =	sadd.s32 s0, s3;
	s0 =	sld [smem:$0x3FA7]  }
0x30: {  	s3 =	sld [smem:$0x3FAA]  }
0x31: {  	[smem:$0x3FB3] =	sst s10  }
0x32: {  	s10 =	sld [smem:$0x3FB1];
	_ =	sdelay $0x3  }
0x33: {  	p0 =	seq.s32 s10, $0x1;
	s10 =	sld [smem:$0x3FB3];
	_ =	sdelay $0x3  }
0x34: {  	[smem:$0x3FB3] =	sst s10  }
0x35: {  	s10 =	sld [smem:$0x3FB2];
	_ =	sdelay $0x3  }
0x36: {  	p1 =	seq.s32 s10, $0x1;
	s10 =	sld [smem:$0x3FB3];
	_ =	sdelay $0x3  }
0x37: {  	[smem:$0x3FB3] =	sst s10  }
0x38: {  	s10 =	sld [smem:$0x3FB4]  }
0x39: {  	_ = 	snop;
	(pc) =	sbr.ind lr, $3  }
0x3a: {  	_ = 	snop  }
0x3b: {  	_ = 	snop  }
0x3c: {  	p2 =	seq.s32 s10, $0x1;
	s10 =	sld [smem:$0x3FB3]  }
0x3d: {  	_ =	shalt  }
0x3e: {  	_ =	shalt  }
0x3f: {  	_ =	shalt  }
0x40: {  	_ =	shalt  }
0x41: {  	_ =	shalt  }
0x42: {  	_ =	shalt  }
0x43: {  	_ =	shalt  }
0x44: {  	_ =	shalt  }
0x45: {  	_ =	shalt  }
0x46: {  	_ =	shalt  }
0x47: {  	_ =	shalt  }
0x48: {  	_ =	shalt  }
0x49: {  	_ =	shalt  }
0x4a: {  	_ =	shalt  }
0x4b: {  	_ =	shalt  }
0x4c: {  	_ =	shalt  }
0x4d: {  	_ =	shalt  }
0x4e: {  	_ =	shalt  }
0x4f: {  	_ =	shalt  }
0x50: {  	_ =	shalt  }
0x51: {  	_ =	shalt  }
0x52: {  	_ =	shalt  }
0x53: {  	_ =	shalt  }
0x54: {  	_ =	shalt  }
0x55: {  	_ =	shalt  }
0x56: {  	_ =	shalt  }
0x57: {  	_ =	shalt  }
0x58: {  	_ =	shalt  }
0x59: {  	_ =	shalt  }
0x5a: {  	_ =	shalt  }
0x5b: {  	_ =	shalt  }
0x5c: {  	_ =	shalt  }
0x5d: {  	_ =	shalt  }
0x5e: {  	_ =	shalt  }
0x5f: {  	_ =	shalt  }
0x60: {  	_ =	shalt  }
0x61: {  	_ =	shalt  }
0x62: {  	_ =	shalt  }
0x63: {  	_ =	shalt  }
0x64: {  	_ =	shalt  }
0x65: {  	_ =	shalt  }
0x66: {  	_ =	shalt  }
0x67: {  	_ =	shalt  }
0x68: {  	_ =	shalt  }
0x69: {  	_ =	shalt  }
0x6a: {  	_ =	shalt  }
0x6b: {  	_ =	shalt  }
0x6c: {  	_ =	shalt  }
0x6d: {  	_ =	shalt  }
0x6e: {  	_ =	shalt  }
0x6f: {  	_ =	shalt  }
0x70: {  	_ =	shalt  }
0x71: {  	_ =	shalt  }
0x72: {  	_ =	shalt  }
0x73: {  	_ =	shalt  }
0x74: {  	_ =	shalt  }
0x75: {  	_ =	shalt  }
0x76: {  	_ =	shalt  }
0x77: {  	_ =	shalt  }
0x78: {  	_ =	shalt  }
0x79: {  	_ =	shalt  }
0x7a: {  	_ =	shalt  }
0x7b: {  	_ =	shalt  }
0x7c: {  	_ =	shalt  }
0x7d: {  	_ =	shalt  }
0x7e: {  	_ =	shalt  }
0x7f: {  	_ =	shalt  }
0x80: {  	_ =	shalt  }
0x81: {  	_ =	shalt  }
0x82: {  	_ =	shalt  }
0x83: {  	_ =	shalt  }
0x84: {  	_ =	shalt  }
0x85: {  	_ =	shalt  }
0x86: {  	_ =	shalt  }
0x87: {  	_ =	shalt  }
.Lfunc_end0:
.L_simem_size_0:
called_computation_lowered:
.L_overlay_start_0:
0x88: {  	s2 =	sld [smem:$0x3FD9]  }
0x89: {  	s3 =	sld [smem:$0x3FFE];
	_ =	sdelay $0x1  }
0x8a: {  	s1 =	srdreg.scid  }
0x8b: {  	s0 =	sand.u32 $0x1, s1  }
0x8c: {  	s17 =	sshll.u32 s0, $0xA;
	s2 =	sadd.s32 s3, s2  }
0x8d: {  	s2 =	sadd.s32 s2, s17  }
0x8e: {  	[smem:$0x3FBF] =	sst s2  }
0x8f: {  	_ = 	snop  }
0x90: {  	s2 =	sld [smem:$0x3FD0];
	(tm) =	ssettm $0x1  }
0x91: {  	s18 =	sld [smem:$0x3FFB];
	_ =	sdelay $0x3  }
0x92: {  	_ =	strace s18  }
0x93: {  	s3 =	sld [smem:$0x3FFC];
	_ =	sdelay $0x3  }
0x94: {  	_ =	strace s3  }
0x95: {  	s3 =	sld [smem:$0x3FFD];
	_ =	sdelay $0x3  }
0x96: {  	_ =	strace s3  }
0x97: {  	_ =	strace $0x8FFFFFFF  }
0x98: {  	s19 =	sld [smem:$0x3FDB];
	_ =	sdelay $0x1  }
0x99: {  	s4 =	simm.s32 $_scs_section_size  }
0x9a: {  	s5 =	simm.s32 $_size__tile_overlayer_lowered;
	s6 =	simm.s32 $_tile_overlayer_lowered  }
0x9b: {  	s22 =	simm.s32 $0x1BFF;
	s21 =	sshll.u32 s6, $0x1;
	s3 =	sadd.s32 s4, s19  }
0x9c: {  	s7 =	simm.s32 $0x0;
	s20 =	sshll.u32 s5, $0x1;
	s5 =	sadd.s32 s21, s3  }
0x9d: {  	[timem:s7], [sflag:s22] =	dma.local [hbm:s5], s20  }
0x9e: {  	_ =	swait.ge [sflag:s22], s20  }
0x9f: {  	s4 =	ssub.s32 $0x0, s20;
	[sflag:s22] =	ssyncset.done $0x0  }
0xa0: {  	[sflag:s22] =	ssyncadd.s32 s4;
	_ =	sdelay $0x1  }
0xa1: {  	s23 =	simm.s32 $0x1B8B  }
0xa2: {  	_ =	swait.ge [sflag:s23], $0x1  }
0xa3: {  	[sflag:s23] =	ssyncset.done $0x0  }
0xa4: {  	s25 =	simm.s32 $0x1B8E;
	s24 =	sld [smem:$0x3FFE];
	[sflag:s23] =	ssyncadd.s32 $0xFFFFFFFF  }
0xa5: {  	s26 =	simm.s32 $execute0_lowered;
	[smem:$0x3FD2] =	sst s25  }
0xa6: {  	s5 =	sshll.u32 s26, $0x1;
	_ =	strace $0x80000046;
	[dreg:$0x1] =	wrdreg $0xFFFFFFFF  }
0xa7: {  	s28 =	simm.s32 $_size_execute0_lowered;
	s3 =	sadd.s32 s3, s5;
	[dreg:$0x0] =	wrdreg $0x0  }
0xa8: {  	s5 =	sshll.u32 s28, $0x1;
	[dreg:$0x2] =	wrdreg s3  }
0xa9: {  	[dreg:$0x3] =	wrdreg s5  }
0xaa: {  	[dreg:$0x4] =	wrdreg $0xC0  }
0xab: {  	_ =	task [dreg:s7], $0x5FFFF  }
0xac: {  	[dreg:$0x1] =	wrdreg $0xFFFFFFFF  }
0xad: {  	[dreg:$0x0] =	wrdreg $0x60  }
0xae: {  	[dreg:$0x2] =	wrdreg s24  }
0xaf: {  	[dreg:$0x3] =	wrdreg s2  }
0xb0: {  	[dreg:$0x4] =	wrdreg $0x9  }
0xb1: {  	_ =	task.clear_ibuf [dreg:s7], $0x5FFFF;
	_ =	strace $0x90000046  }
0xb2: {  	s29 =	simm.s32 $0x9;
	_ =	strace $0x80000048  }
0xb3: {  	_ =	swait.ge [sflag:s29], $0x1  }
0xb4: {  	[sflag:s29] =	ssyncadd.s32 $0xFFFFFFFF  }
0xb5: {  	_ =	strace $0x90000048  }
0xb6: {  	_ =	sfence  }
0xb7: {  	s30 =	sld [smem:$0x0];
	_ =	sdelay $0x2  }
0xb8: {  	s31 =	sshll.u32 s1, $0xD;
	s1 =	sshrl.u32 s1, $0x2  }
0xb9: {  	s3 =	sand.u32 $0x4000, s31;
	s1 =	sadd.s32 s1, s30  }
0xba: {  	s0 =	sor.u32 s3, s0;
	s1 =	sshll.u32 s1, $0x11  }
0xbb: {  	s0 =	sor.u32 s1, s0  }
0xbc: {  	s0 =	sadd.s32 $0x8F2B, s0  }
0xbd: {  	[sflag:s0] =	ssyncadd.remote.s32 $0x1  }
0xbe: {  	_ =	sfence.sel $0xFFFF  }
0xbf: {  	[dreg:$0x0] =	wrdreg $0xFFFFFFFF;
	(pc) =	sbr.abs _section_cstart, $3  }
0xc0: {  	[dreg:$0x1] =	wrdreg $0xFFFFFFFF  }
0xc1: {  	_ =	task.clear_ibuf [dreg:s7], $0x2FFFF;
	_ =	strace $0x9FFFFFFF  }
0xc2: {  	(tm) =	ssettm $0x7FFFFFFF  }
0xc3: {  	_ =	shalt  }
tec
execute0_lowered:
.L_overlay_start_1:
0x0: {  	(tag) =	ssettag $0x1  }
0x1: {  	s0 =	rddreg [dreg:$0x0];
	s1 =	srdreg.scid  }
0x2: {  	s2 =	stileid.u32;
	s4 =	rddreg [dreg:$0x1]  }
0x3: {  	s24 =	simm.s32 $0x80;
	s25 =	simm.s32 $0x100;
	s26 =	simm.s32 $0x180  }
0x4: {  	s13 =	simm.s32 $0x2A00;
	s14 =	simm.s32 $0x3200;
	s28 =	simm.s32 $0x9A00  }
0x5: {  	s29 =	simm.s32 $0xA200;
	s30 =	simm.s32 $0xAA00;
	s31 =	simm.s32 $0xB200  }
0x6: {  	s1 =	sand.u32 $0x1, s1;
	s3 =	sshll.u32 s2, $0x1;
	s2 =	simm.s32 $0x0  }
0x7: {  	s7 =	sadd.s32 $0x20400, s0;
	s5 =	sor.u32 s1, s3;
	[smem:$0x7FF] =	sst s2  }
0x8: {  	s3 =	sadd.s32 $0x400, s0;
	_ =	strace $0x80000047;
	[dreg:$0xb] =	wrdreg s24  }
0x9: {  	s1 =	ssub.s32 $0x2, s1;
	s6 =	smul.u32 $0xC0, s5;
	[dreg:$0xc] =	wrdreg s25  }
0xa: {  	s5 =	smul.u32 $0x3000, s5;
	s12 =	sshrl.u32 s1, $0x1;
	[dreg:$0xd] =	wrdreg s26  }
0xb: {  	s24 =	simm.s32 $0x8200;
	s25 =	simm.s32 $0x8A00;
	s26 =	simm.s32 $0x9200  }
0xc: {  	s1 =	ssub.s32 s1, s12;
	s12 =	simm.s32 $0x2200;
	s8 =	sshrl.u32 s6, $0x3  }
0xd: {  	s9 =	sor.u32 $0x30, s6;
	s16 =	sadd.s32 $0x60, s6;
	s6 =	sadd.s32 $0x90, s6  }
0xe: {  	s18 =	sadd.s32 s7, s5;
	s8 =	sadd.s32 s4, s8;
	s10 =	sshrl.u32 s9, $0x3  }
0xf: {  	s17 =	sshrl.u32 s16, $0x3;
	s11 =	sshrl.u32 s6, $0x3;
	s19 =	sshll.u32 s9, $0x6  }
0x10: {  	[dreg:$0x7] =	wrdreg s18;
	s21 =	sshll.u32 s16, $0x6;
	s23 =	sshll.u32 s6, $0x6  }
0x11: {  	s6 =	simm.s32 $0x3;
	s16 =	simm.s32 $0x4200;
	s18 =	simm.s32 $0x5200  }
0x12: {  	[dreg:$0x3] =	wrdreg s8;
	s15 =	sadd.s32 s4, s10;
	s8 =	sadd.s32 s4, s17  }
0x13: {  	s4 =	sadd.s32 s4, s11;
	s20 =	sadd.s32 s7, s19;
	[dreg:$0x4] =	wrdreg s15  }
0x14: {  	s22 =	sadd.s32 s7, s21;
	s5 =	sadd.s32 s7, s23;
	[dreg:$0x5] =	wrdreg s8  }
0x15: {  	s19 =	simm.s32 $0x200;
	s10 =	simm.s32 $0x1200;
	[dreg:$0x6] =	wrdreg s4  }
0x16: {  	s11 =	simm.s32 $0x1A00;
	s17 =	simm.s32 $0x4A00;
	[dreg:$0x8] =	wrdreg s20  }
0x17: {  	s21 =	simm.s32 $0x6A00;
	s23 =	simm.s32 $0x7A00;
	[dreg:$0x9] =	wrdreg s22  }
0x18: {  	v2 =	vlaneseq.u32;
	s7 =	simm.s32 $0xBA00;
	s4 =	sadd.s32 $0x500, s0;
	[dreg:$0xa] =	wrdreg s5  }
0x19: {  	vm0 =	vmmov $0xffff;
	v1 =	vshrl.u32 v2, $0x3;
	s5 =	smax.u32 s1, $0x1;
	s15 =	simm.s32 $0x3A00;
	s20 =	simm.s32 $0x5A00  }
0x1a: {  	v0 =	vand.u32 $0x7, v2;
	v2 =	vor.u32 $0x8, v2;
	v1 =	vmul.u32 $0x8, v1;
	s1 =	simm.s32 $0x6200;
	s22 =	simm.s32 $0x7200;
	s0 =	simm.s32 $0x1  }
.LBB2_1:
0x1b: {  	s8 =	rddreg [dreg:$0x3]  }
0x1c: {  	[tilespmem:s2], [sflag:$0x3] =	stream.linear.gather [hbm4b:s8+s2], $0x30, $0x38;
	[tilespmem:$0xC200] =	vst v63  }
0x1d: {  	_ =	swait.ge [sflag:s6], $0x30  }
0x1e: {  	s8 =	rddreg [dreg:$0x4];
	[sflag:s6] =	ssyncset.done $0x0  }
0x1f: {  	s9 =	rddreg [dreg:$0xb];
	[sflag:s6] =	ssyncadd.s32 $0xFFFFFFD0  }
0x20: {  	[tilespmem:s9], [sflag:$0x3] =	stream.linear.gather [hbm4b:s8+s2], $0x30, $0x38;
	[tilespmem:$0xC200] =	vst v63  }
0x21: {  	_ =	swait.ge [sflag:s6], $0x30  }
0x22: {  	s8 =	rddreg [dreg:$0x5];
	[sflag:s6] =	ssyncset.done $0x0  }
0x23: {  	s9 =	rddreg [dreg:$0xc];
	[sflag:s6] =	ssyncadd.s32 $0xFFFFFFD0  }
0x24: {  	[tilespmem:s9], [sflag:$0x3] =	stream.linear.gather [hbm4b:s8+s2], $0x30, $0x38;
	[tilespmem:$0xC200] =	vst v63  }
0x25: {  	_ =	swait.ge [sflag:s6], $0x30  }
0x26: {  	s8 =	rddreg [dreg:$0x6];
	[sflag:s6] =	ssyncset.done $0x0  }
0x27: {  	s9 =	rddreg [dreg:$0xd];
	[sflag:s6] =	ssyncadd.s32 $0xFFFFFFD0  }
0x28: {  	[tilespmem:s9], [sflag:$0x3] =	stream.linear.gather [hbm4b:s8+s2], $0x30, $0x38;
	[tilespmem:$0xC200] =	vst v63  }
0x29: {  	_ =	swait.ge [sflag:s6], $0x30  }
0x2a: {  	[sflag:s6] =	ssyncset.done $0x0  }
0x2b: {  	[sflag:s6] =	ssyncadd.s32 $0xFFFFFFD0  }
0x2c: {  	v3 =	vld [tilespmem:$0x0];
	_ =	sdelay $0x4  }
0x2d: {  	v4 =	vshll.u32 v3, $0x2  }
0x2e: {  	v3 =	vand.u32 $0x7, v3;
	v4 =	vand.u32 $0xFFFFFFE0, v4  }
0x2f: {  	v3 =	vor.u32 v3, v4  }
0x30: {  	v4 =	vperm.xlane v3, v0;
	_ =	sdelay $0x1  }
0x31: {  	v4 =	vadd.s32 v1, v4;
	_ =	sdelay $0x1  }
0x32: {  	v3 =	vperm.xlane v3, v2;
	_ =	sdelay $0x1  }
0x33: {  	v3 =	vadd.s32 v1, v3  }
0x34: {  	[tilespmem:s19], [sflag:$0x1] =	stream.indirect_vreg.gather [hbm4b:s3+s2], $0x80, v4, vm0, $0xb8;
	[tilespmem:$0xC200] =	vst v63  }
0x35: {  	s9 =	simm.s32 $0xA00  }
0x36: {  	[tilespmem:s9], [sflag:$0x1] =	stream.indirect_vreg.gather [hbm4b:s4+s2], $0x80, v4, vm0, $0xb8;
	[tilespmem:$0xC200] =	vst v63  }
0x37: {  	_ = 	snop  }
0x38: {  	[tilespmem:s10], [sflag:$0x1] =	stream.indirect_vreg.gather [hbm4b:s3+s2], $0x80, v3, vm0, $0xb8;
	[tilespmem:$0xC200] =	vst v63  }
0x39: {  	_ = 	snop  }
0x3a: {  	[tilespmem:s11], [sflag:$0x1] =	stream.indirect_vreg.gather [hbm4b:s4+s2], $0x80, v3, vm0, $0xb8;
	[tilespmem:$0xC200] =	vst v63  }
0x3b: {  	v3 =	vld [tilespmem:$0x10];
	_ =	sdelay $0x4  }
0x3c: {  	v53 =	vshll.u32 v3, $0x2  }
0x3d: {  	v3 =	vand.u32 $0x7, v3;
	v4 =	vand.u32 $0xFFFFFFE0, v53  }
0x3e: {  	v3 =	vor.u32 v3, v4  }
0x3f: {  	v4 =	vperm.xlane v3, v0;
	_ =	sdelay $0x1  }
0x40: {  	v4 =	vadd.s32 v1, v4;
	_ =	sdelay $0x1  }
0x41: {  	v3 =	vperm.xlane v3, v2;
	_ =	sdelay $0x1  }
0x42: {  	v3 =	vadd.s32 v1, v3  }
0x43: {  	[tilespmem:s12], [sflag:$0x1] =	stream.indirect_vreg.gather [hbm4b:s3+s2], $0x80, v4, vm0, $0xb8;
	[tilespmem:$0xC200] =	vst v63  }
0x44: {  	_ = 	snop  }
0x45: {  	[tilespmem:s13], [sflag:$0x1] =	stream.indirect_vreg.gather [hbm4b:s4+s2], $0x80, v4, vm0, $0xb8;
	[tilespmem:$0xC200] =	vst v63  }
0x46: {  	_ = 	snop  }
0x47: {  	[tilespmem:s14], [sflag:$0x1] =	stream.indirect_vreg.gather [hbm4b:s3+s2], $0x80, v3, vm0, $0xb8;
	[tilespmem:$0xC200] =	vst v63  }
0x48: {  	_ = 	snop  }
0x49: {  	[tilespmem:s15], [sflag:$0x1] =	stream.indirect_vreg.gather [hbm4b:s4+s2], $0x80, v3, vm0, $0xb8;
	[tilespmem:$0xC200] =	vst v63  }
0x4a: {  	v3 =	vld [tilespmem:$0x20];
	_ =	sdelay $0x4  }
0x4b: {  	v54 =	vshll.u32 v3, $0x2  }
0x4c: {  	v3 =	vand.u32 $0x7, v3;
	v4 =	vand.u32 $0xFFFFFFE0, v54  }
0x4d: {  	v3 =	vor.u32 v3, v4  }
0x4e: {  	v4 =	vperm.xlane v3, v0;
	_ =	sdelay $0x1  }
0x4f: {  	v4 =	vadd.s32 v1, v4;
	_ =	sdelay $0x1  }
0x50: {  	v3 =	vperm.xlane v3, v2;
	_ =	sdelay $0x1  }
0x51: {  	v3 =	vadd.s32 v1, v3  }
0x52: {  	[tilespmem:s16], [sflag:$0x1] =	stream.indirect_vreg.gather [hbm4b:s3+s2], $0x80, v4, vm0, $0xb8;
	[tilespmem:$0xC200] =	vst v63  }
0x53: {  	_ = 	snop  }
0x54: {  	[tilespmem:s17], [sflag:$0x1] =	stream.indirect_vreg.gather [hbm4b:s4+s2], $0x80, v4, vm0, $0xb8;
	[tilespmem:$0xC200] =	vst v63  }
0x55: {  	_ = 	snop  }
0x56: {  	[tilespmem:s18], [sflag:$0x1] =	stream.indirect_vreg.gather [hbm4b:s3+s2], $0x80, v3, vm0, $0xb8;
	[tilespmem:$0xC200] =	vst v63  }
0x57: {  	_ = 	snop  }
0x58: {  	[tilespmem:s20], [sflag:$0x1] =	stream.indirect_vreg.gather [hbm4b:s4+s2], $0x80, v3, vm0, $0xb8;
	[tilespmem:$0xC200] =	vst v63  }
0x59: {  	v3 =	vld [tilespmem:$0x80];
	_ =	sdelay $0x4  }
0x5a: {  	v55 =	vshll.u32 v3, $0x2  }
0x5b: {  	v3 =	vand.u32 $0x7, v3;
	v4 =	vand.u32 $0xFFFFFFE0, v55  }
0x5c: {  	v3 =	vor.u32 v3, v4  }
0x5d: {  	v4 =	vperm.xlane v3, v0;
	_ =	sdelay $0x1  }
0x5e: {  	v4 =	vadd.s32 v1, v4;
	_ =	sdelay $0x1  }
0x5f: {  	v3 =	vperm.xlane v3, v2;
	_ =	sdelay $0x1  }
0x60: {  	v3 =	vadd.s32 v1, v3  }
0x61: {  	[tilespmem:s1], [sflag:$0x2] =	stream.indirect_vreg.gather [hbm4b:s3+s2], $0x80, v4, vm0, $0xb8;
	[tilespmem:$0xC200] =	vst v63  }
0x62: {  	_ = 	snop  }
0x63: {  	[tilespmem:s21], [sflag:$0x2] =	stream.indirect_vreg.gather [hbm4b:s4+s2], $0x80, v4, vm0, $0xb8;
	[tilespmem:$0xC200] =	vst v63  }
0x64: {  	_ = 	snop  }
0x65: {  	[tilespmem:s22], [sflag:$0x2] =	stream.indirect_vreg.gather [hbm4b:s3+s2], $0x80, v3, vm0, $0xb8;
	[tilespmem:$0xC200] =	vst v63  }
0x66: {  	_ = 	snop  }
0x67: {  	[tilespmem:s23], [sflag:$0x2] =	stream.indirect_vreg.gather [hbm4b:s4+s2], $0x80, v3, vm0, $0xb8;
	[tilespmem:$0xC200] =	vst v63  }
0x68: {  	v3 =	vld [tilespmem:$0x90];
	_ =	sdelay $0x4  }
0x69: {  	v56 =	vshll.u32 v3, $0x2  }
0x6a: {  	v3 =	vand.u32 $0x7, v3;
	v4 =	vand.u32 $0xFFFFFFE0, v56  }
0x6b: {  	v3 =	vor.u32 v3, v4  }
0x6c: {  	v4 =	vperm.xlane v3, v0;
	_ =	sdelay $0x1  }
0x6d: {  	v4 =	vadd.s32 v1, v4;
	_ =	sdelay $0x1  }
0x6e: {  	v3 =	vperm.xlane v3, v2;
	_ =	sdelay $0x1  }
0x6f: {  	v3 =	vadd.s32 v1, v3  }
0x70: {  	[tilespmem:s24], [sflag:$0x2] =	stream.indirect_vreg.gather [hbm4b:s3+s2], $0x80, v4, vm0, $0xb8;
	[tilespmem:$0xC200] =	vst v63  }
0x71: {  	_ = 	snop  }
0x72: {  	[tilespmem:s25], [sflag:$0x2] =	stream.indirect_vreg.gather [hbm4b:s4+s2], $0x80, v4, vm0, $0xb8;
	[tilespmem:$0xC200] =	vst v63  }
0x73: {  	_ = 	snop  }
0x74: {  	[tilespmem:s26], [sflag:$0x2] =	stream.indirect_vreg.gather [hbm4b:s3+s2], $0x80, v3, vm0, $0xb8;
	[tilespmem:$0xC200] =	vst v63  }
0x75: {  	_ = 	snop  }
0x76: {  	[tilespmem:s28], [sflag:$0x2] =	stream.indirect_vreg.gather [hbm4b:s4+s2], $0x80, v3, vm0, $0xb8;
	[tilespmem:$0xC200] =	vst v63  }
0x77: {  	v3 =	vld [tilespmem:$0xA0];
	_ =	sdelay $0x4  }
0x78: {  	v57 =	vshll.u32 v3, $0x2  }
0x79: {  	v3 =	vand.u32 $0x7, v3;
	v4 =	vand.u32 $0xFFFFFFE0, v57  }
0x7a: {  	v3 =	vor.u32 v3, v4  }
0x7b: {  	v4 =	vperm.xlane v3, v0;
	_ =	sdelay $0x1  }
0x7c: {  	v4 =	vadd.s32 v1, v4;
	_ =	sdelay $0x1  }
0x7d: {  	v3 =	vperm.xlane v3, v2;
	_ =	sdelay $0x1  }
0x7e: {  	v3 =	vadd.s32 v1, v3  }
0x7f: {  	[tilespmem:s29], [sflag:$0x2] =	stream.indirect_vreg.gather [hbm4b:s3+s2], $0x80, v4, vm0, $0xb8;
	[tilespmem:$0xC200] =	vst v63  }
0x80: {  	_ = 	snop  }
0x81: {  	[tilespmem:s30], [sflag:$0x2] =	stream.indirect_vreg.gather [hbm4b:s4+s2], $0x80, v4, vm0, $0xb8;
	[tilespmem:$0xC200] =	vst v63  }
0x82: {  	_ = 	snop  }
0x83: {  	[tilespmem:s31], [sflag:$0x2] =	stream.indirect_vreg.gather [hbm4b:s3+s2], $0x80, v3, vm0, $0xb8;
	[tilespmem:$0xC200] =	vst v63  }
0x84: {  	_ = 	snop  }
0x85: {  	[tilespmem:s7], [sflag:$0x2] =	stream.indirect_vreg.gather [hbm4b:s4+s2], $0x80, v3, vm0, $0xb8;
	[tilespmem:$0xC200] =	vst v63  }
0x86: {  	_ =	swait.ge [sflag:s0], $0x6000  }
0x87: {  	[sflag:s0] =	ssyncset.done $0x0  }
0x88: {  	s8 =	rddreg [dreg:$0x7];
	[sflag:s0] =	ssyncadd.s32 $0xFFFFA000  }
0x89: {  	[hbm4b:s8+s2] =	stream.linear.scatter [tilespmem:s19], [sflag:$0x3], $0x6000, $0x38;
	[tilespmem:$0xC200] =	vst v63  }
0x8a: {  	_ =	swait.ge [sflag:s6], $0x6000  }
0x8b: {  	[sflag:s6] =	ssyncset.done $0x0  }
0x8c: {  	[sflag:s6] =	ssyncadd.s32 $0xFFFFA000  }
0x8d: {  	v3 =	vld [tilespmem:$0x100];
	_ =	sdelay $0x4  }
0x8e: {  	v58 =	vshll.u32 v3, $0x2  }
0x8f: {  	v3 =	vand.u32 $0x7, v3;
	v4 =	vand.u32 $0xFFFFFFE0, v58  }
0x90: {  	v3 =	vor.u32 v3, v4  }
0x91: {  	v4 =	vperm.xlane v3, v0;
	_ =	sdelay $0x1  }
0x92: {  	v4 =	vadd.s32 v1, v4;
	_ =	sdelay $0x1  }
0x93: {  	v3 =	vperm.xlane v3, v2;
	_ =	sdelay $0x1  }
0x94: {  	v3 =	vadd.s32 v1, v3  }
0x95: {  	[tilespmem:s19], [sflag:$0x1] =	stream.indirect_vreg.gather [hbm4b:s3+s2], $0x80, v4, vm0, $0xb8;
	[tilespmem:$0xC200] =	vst v63  }
0x96: {  	_ = 	snop  }
0x97: {  	[tilespmem:s9], [sflag:$0x1] =	stream.indirect_vreg.gather [hbm4b:s4+s2], $0x80, v4, vm0, $0xb8;
	[tilespmem:$0xC200] =	vst v63  }
0x98: {  	_ = 	snop  }
0x99: {  	[tilespmem:s10], [sflag:$0x1] =	stream.indirect_vreg.gather [hbm4b:s3+s2], $0x80, v3, vm0, $0xb8;
	[tilespmem:$0xC200] =	vst v63  }
0x9a: {  	_ = 	snop  }
0x9b: {  	[tilespmem:s11], [sflag:$0x1] =	stream.indirect_vreg.gather [hbm4b:s4+s2], $0x80, v3, vm0, $0xb8;
	[tilespmem:$0xC200] =	vst v63  }
0x9c: {  	v3 =	vld [tilespmem:$0x110];
	_ =	sdelay $0x4  }
0x9d: {  	v59 =	vshll.u32 v3, $0x2  }
0x9e: {  	v3 =	vand.u32 $0x7, v3;
	v4 =	vand.u32 $0xFFFFFFE0, v59  }
0x9f: {  	v3 =	vor.u32 v3, v4  }
0xa0: {  	v4 =	vperm.xlane v3, v0;
	_ =	sdelay $0x1  }
0xa1: {  	v4 =	vadd.s32 v1, v4;
	_ =	sdelay $0x1  }
0xa2: {  	v3 =	vperm.xlane v3, v2;
	_ =	sdelay $0x1  }
0xa3: {  	v3 =	vadd.s32 v1, v3  }
0xa4: {  	[tilespmem:s12], [sflag:$0x1] =	stream.indirect_vreg.gather [hbm4b:s3+s2], $0x80, v4, vm0, $0xb8;
	[tilespmem:$0xC200] =	vst v63  }
0xa5: {  	_ = 	snop  }
0xa6: {  	[tilespmem:s13], [sflag:$0x1] =	stream.indirect_vreg.gather [hbm4b:s4+s2], $0x80, v4, vm0, $0xb8;
	[tilespmem:$0xC200] =	vst v63  }
0xa7: {  	_ = 	snop  }
0xa8: {  	[tilespmem:s14], [sflag:$0x1] =	stream.indirect_vreg.gather [hbm4b:s3+s2], $0x80, v3, vm0, $0xb8;
	[tilespmem:$0xC200] =	vst v63  }
0xa9: {  	_ = 	snop  }
0xaa: {  	[tilespmem:s15], [sflag:$0x1] =	stream.indirect_vreg.gather [hbm4b:s4+s2], $0x80, v3, vm0, $0xb8;
	[tilespmem:$0xC200] =	vst v63  }
0xab: {  	v3 =	vld [tilespmem:$0x120];
	_ =	sdelay $0x4  }
0xac: {  	v60 =	vshll.u32 v3, $0x2  }
0xad: {  	v3 =	vand.u32 $0x7, v3;
	v4 =	vand.u32 $0xFFFFFFE0, v60  }
0xae: {  	v3 =	vor.u32 v3, v4  }
0xaf: {  	v4 =	vperm.xlane v3, v0;
	_ =	sdelay $0x1  }
0xb0: {  	v4 =	vadd.s32 v1, v4;
	_ =	sdelay $0x1  }
0xb1: {  	v3 =	vperm.xlane v3, v2;
	_ =	sdelay $0x1  }
0xb2: {  	v3 =	vadd.s32 v1, v3  }
0xb3: {  	[tilespmem:s16], [sflag:$0x1] =	stream.indirect_vreg.gather [hbm4b:s3+s2], $0x80, v4, vm0, $0xb8;
	[tilespmem:$0xC200] =	vst v63  }
0xb4: {  	_ = 	snop  }
0xb5: {  	[tilespmem:s17], [sflag:$0x1] =	stream.indirect_vreg.gather [hbm4b:s4+s2], $0x80, v4, vm0, $0xb8;
	[tilespmem:$0xC200] =	vst v63  }
0xb6: {  	_ = 	snop  }
0xb7: {  	[tilespmem:s18], [sflag:$0x1] =	stream.indirect_vreg.gather [hbm4b:s3+s2], $0x80, v3, vm0, $0xb8;
	[tilespmem:$0xC200] =	vst v63  }
0xb8: {  	s9 =	simm.s32 $0x2  }
0xb9: {  	[tilespmem:s20], [sflag:$0x1] =	stream.indirect_vreg.gather [hbm4b:s4+s2], $0x80, v3, vm0, $0xb8;
	[tilespmem:$0xC200] =	vst v63  }
0xba: {  	_ =	swait.ge [sflag:s9], $0x6000  }
0xbb: {  	[sflag:s9] =	ssyncset.done $0x0  }
0xbc: {  	s8 =	rddreg [dreg:$0x8];
	[sflag:s9] =	ssyncadd.s32 $0xFFFFA000  }
0xbd: {  	[hbm4b:s8+s2] =	stream.linear.scatter [tilespmem:s1], [sflag:$0x3], $0x6000, $0x38;
	[tilespmem:$0xC200] =	vst v63  }
0xbe: {  	_ =	swait.ge [sflag:s6], $0x6000  }
0xbf: {  	[sflag:s6] =	ssyncset.done $0x0  }
0xc0: {  	[sflag:s6] =	ssyncadd.s32 $0xFFFFA000  }
0xc1: {  	v3 =	vld [tilespmem:$0x180];
	_ =	sdelay $0x4  }
0xc2: {  	v61 =	vshll.u32 v3, $0x2  }
0xc3: {  	v3 =	vand.u32 $0x7, v3;
	v4 =	vand.u32 $0xFFFFFFE0, v61  }
0xc4: {  	v3 =	vor.u32 v3, v4  }
0xc5: {  	v4 =	vperm.xlane v3, v0;
	_ =	sdelay $0x1  }
0xc6: {  	v4 =	vadd.s32 v1, v4;
	_ =	sdelay $0x1  }
0xc7: {  	v3 =	vperm.xlane v3, v2;
	_ =	sdelay $0x1  }
0xc8: {  	v3 =	vadd.s32 v1, v3  }
0xc9: {  	[tilespmem:s1], [sflag:$0x2] =	stream.indirect_vreg.gather [hbm4b:s3+s2], $0x80, v4, vm0, $0xb8;
	[tilespmem:$0xC200] =	vst v63  }
0xca: {  	_ = 	snop  }
0xcb: {  	[tilespmem:s21], [sflag:$0x2] =	stream.indirect_vreg.gather [hbm4b:s4+s2], $0x80, v4, vm0, $0xb8;
	[tilespmem:$0xC200] =	vst v63  }
0xcc: {  	_ = 	snop  }
0xcd: {  	[tilespmem:s22], [sflag:$0x2] =	stream.indirect_vreg.gather [hbm4b:s3+s2], $0x80, v3, vm0, $0xb8;
	[tilespmem:$0xC200] =	vst v63  }
0xce: {  	_ = 	snop  }
0xcf: {  	[tilespmem:s23], [sflag:$0x2] =	stream.indirect_vreg.gather [hbm4b:s4+s2], $0x80, v3, vm0, $0xb8;
	[tilespmem:$0xC200] =	vst v63  }
0xd0: {  	v3 =	vld [tilespmem:$0x190];
	_ =	sdelay $0x4  }
0xd1: {  	v62 =	vshll.u32 v3, $0x2  }
0xd2: {  	v3 =	vand.u32 $0x7, v3;
	v4 =	vand.u32 $0xFFFFFFE0, v62  }
0xd3: {  	v3 =	vor.u32 v3, v4  }
0xd4: {  	v4 =	vperm.xlane v3, v0;
	_ =	sdelay $0x1  }
0xd5: {  	v4 =	vadd.s32 v1, v4;
	_ =	sdelay $0x1  }
0xd6: {  	v3 =	vperm.xlane v3, v2;
	_ =	sdelay $0x1  }
0xd7: {  	v3 =	vadd.s32 v1, v3  }
0xd8: {  	[tilespmem:s24], [sflag:$0x2] =	stream.indirect_vreg.gather [hbm4b:s3+s2], $0x80, v4, vm0, $0xb8;
	[tilespmem:$0xC200] =	vst v63  }
0xd9: {  	_ = 	snop  }
0xda: {  	[tilespmem:s25], [sflag:$0x2] =	stream.indirect_vreg.gather [hbm4b:s4+s2], $0x80, v4, vm0, $0xb8;
	[tilespmem:$0xC200] =	vst v63  }
0xdb: {  	_ = 	snop  }
0xdc: {  	[tilespmem:s26], [sflag:$0x2] =	stream.indirect_vreg.gather [hbm4b:s3+s2], $0x80, v3, vm0, $0xb8;
	[tilespmem:$0xC200] =	vst v63  }
0xdd: {  	_ = 	snop  }
0xde: {  	[tilespmem:s28], [sflag:$0x2] =	stream.indirect_vreg.gather [hbm4b:s4+s2], $0x80, v3, vm0, $0xb8;
	[tilespmem:$0xC200] =	vst v63  }
0xdf: {  	v3 =	vld [tilespmem:$0x1A0];
	_ =	sdelay $0x4  }
0xe0: {  	v63 =	vshll.u32 v3, $0x2  }
0xe1: {  	v3 =	vand.u32 $0x7, v3;
	v4 =	vand.u32 $0xFFFFFFE0, v63  }
0xe2: {  	v3 =	vor.u32 v3, v4  }
0xe3: {  	v4 =	vperm.xlane v3, v0;
	_ =	sdelay $0x1  }
0xe4: {  	v4 =	vadd.s32 v1, v4;
	_ =	sdelay $0x1  }
0xe5: {  	v3 =	vperm.xlane v3, v2;
	_ =	sdelay $0x1  }
0xe6: {  	v3 =	vadd.s32 v1, v3  }
0xe7: {  	[tilespmem:s29], [sflag:$0x2] =	stream.indirect_vreg.gather [hbm4b:s3+s2], $0x80, v4, vm0, $0xb8;
	[tilespmem:$0xC200] =	vst v63  }
0xe8: {  	_ = 	snop  }
0xe9: {  	[tilespmem:s30], [sflag:$0x2] =	stream.indirect_vreg.gather [hbm4b:s4+s2], $0x80, v4, vm0, $0xb8;
	[tilespmem:$0xC200] =	vst v63  }
0xea: {  	_ = 	snop  }
0xeb: {  	[tilespmem:s31], [sflag:$0x2] =	stream.indirect_vreg.gather [hbm4b:s3+s2], $0x80, v3, vm0, $0xb8;
	[tilespmem:$0xC200] =	vst v63  }
0xec: {  	_ = 	snop  }
0xed: {  	[tilespmem:s7], [sflag:$0x2] =	stream.indirect_vreg.gather [hbm4b:s4+s2], $0x80, v3, vm0, $0xb8;
	[tilespmem:$0xC200] =	vst v63  }
0xee: {  	_ =	swait.ge [sflag:s0], $0x6000  }
0xef: {  	[sflag:s0] =	ssyncset.done $0x0  }
0xf0: {  	s8 =	rddreg [dreg:$0x9];
	[sflag:s0] =	ssyncadd.s32 $0xFFFFA000  }
0xf1: {  	[hbm4b:s8+s2] =	stream.linear.scatter [tilespmem:s19], [sflag:$0x3], $0x6000, $0x38;
	[tilespmem:$0xC200] =	vst v63  }
0xf2: {  	_ =	swait.ge [sflag:s6], $0x6000  }
0xf3: {  	[sflag:s6] =	ssyncset.done $0x0  }
0xf4: {  	[sflag:s6] =	ssyncadd.s32 $0xFFFFA000  }
0xf5: {  	_ =	swait.ge [sflag:s9], $0x6000  }
0xf6: {  	p0 =	sne.s32 s5, $0x1;
	[sflag:s9] =	ssyncset.done $0x0  }
.Ltmp0:
0xf7: {  	s8 =	rddreg [dreg:$0xa];
	[sflag:s9] =	ssyncadd.s32 $0xFFFFA000;
	(pc) =	sbr.rel @p0 .LBB2_1-.Ltmp0, $4  }
0xf8: {  	[hbm4b:s8+s2] =	stream.linear.scatter [tilespmem:s1], [sflag:$0x3], $0x6000, $0x38;
	[tilespmem:$0xC200] =	vst v63  }
0xf9: {  	_ =	swait.ge [sflag:s6], $0x6000  }
0xfa: {  	[sflag:s6] =	ssyncset.done $0x0  }
0xfb: {  	s5 =	sadd.s32 $0xFFFFFFFF, s5;
	[sflag:s6] =	ssyncadd.s32 $0xFFFFA000  }
0xfc: {  	_ =	sfence.sel $0x180000  }
0xfd: {  	[bflag:$0x0] =	sbarrier.arrive $0xFFFF  }
0xfe: {  	_ =	strace $0x90000047  }
0xff: {  	s0 =	stileid.u32;
	[bflag:$0x2] =	sbarrier.arrive $0xFFFF  }
0x100: {  	p0 =	sne.s32 s0, $0x0;
	s0 =	rddreg [dreg:$0x2]  }
0x101: {  	s0 =	sadd.s32 @!p0 $0x100000, s0  }
0x102: {  	[sflag:s0] =	ssyncadd.tile.s32 @!p0 $0x1;
	_ =	shalt  }
.Lfunc_end2:
_tile_overlayer_lowered:
.L_overlay_start_2:
0x103: {  	(tag) =	ssettag $0x2  }
0x104: {  	s0 =	rddreg [dreg:$0x0];
	s2 =	stileid.u32  }
0x105: {  	s1 =	rddreg [dreg:$0x1];
	p0 =	sne.s32 s2, $0x0  }
0x106: {  	s3 =	rddreg [dreg:$0x2];
	[bflag:$0x3] =	sbarrier.arrive $0xFFFF;
	s2 =	simm.s32 @!p0 $0x1C03  }
0x107: {  	[timem:s3], [sflag:s2] =	dma.local @!p0 [hbm:s0], s1  }
0x108: {  	s0 =	simm.s32 @!p0 $0x3  }
0x109: {  	_ =	swait.ge @!p0 [sflag:s0], s1  }
0x10a: {  	s1 =	ssub.s32 @!p0 $0x0, s1;
	[sflag:s0] =	ssyncset.done @!p0 $0x0  }
0x10b: {  	[sflag:s0] =	ssyncadd.s32 @!p0 s1  }
0x10c: {  	[bflag:$0x3] =	sbarrier.arrive $0xFFFF  }
0x10d: {  	_ =	shalt  }

</sc_bundles>
